<compile_context>
chip_gen: v7x
topology: tpu7x:2x2x1
jax: 0.10.2.dev20260603
libtpu: 0.0.44.dev20260713+nightly
codegen_flags: <defaults>
</compile_context>

<pallas_src>
import functools

import jax
import jax.numpy as jnp
from jax import lax
from jax.experimental import pallas as pl
from jax.experimental.pallas import tpu as pltpu
from jax.experimental.pallas import tpu_sc as plsc

N = 10000
F = 128
FH = 64
NP = 10112
NB = NP // 128
E = 320000
RT = 80
ET = RT * 128
EP = 32 * ET
NC, NS = 2, 16
STRIPE = NP // NS
NBUF = 2
HDEPTH = 4

_mesh = plsc.VectorSubcoreMesh(core_axis_name="c", subcore_axis_name="s")


@functools.partial(
    pl.kernel,
    out_type=jax.ShapeDtypeStruct((NC, 16384), jnp.float32),
    mesh=_mesh,
    compiler_params=pltpu.CompilerParams(use_tc_tiling_on_sc=False),
    scratch_types=[
        pltpu.VMEM((RT, 128), jnp.int32),
        pltpu.VMEM((128,), jnp.float32),
        pltpu.VMEM_SHARED((128 * 128,), jnp.float32),
    ] + [pltpu.SemaphoreType.DMA] * HDEPTH,
)
def _deg_kernel(ei_hbm, zh_hbm, out_hbm, bin_v, ones_v, hist_sh, *hsems):
    c = lax.axis_index("c")
    s = lax.axis_index("s")
    wid = c * NS + s
    pltpu.sync_copy(ei_hbm.at[1, pl.ds(wid * RT, RT)], bin_v)
    for i in range(8):
        ones_v[pl.ds(i * 16, 16)] = jnp.ones((16,), jnp.float32)
    pltpu.sync_copy(
        zh_hbm.at[pl.ds(s * (16384 // NS), 16384 // NS)],
        hist_sh.at[pl.ds(s * (16384 // NS), 16384 // NS)],
    )
    plsc.subcore_barrier()
    for b in range(HDEPTH):
        pltpu.async_copy(ones_v, hist_sh.at[bin_v.at[b]], hsems[b], add=True)

    def body(g, carry):
        base = g * HDEPTH
        for b in range(HDEPTH):
            pltpu.make_async_copy(ones_v, hist_sh.at[bin_v.at[0]], hsems[b]).wait()
            jn = base + HDEPTH + b

            @pl.when(jn < RT)
            def _():
                pltpu.async_copy(ones_v, hist_sh.at[bin_v.at[jn]], hsems[b], add=True)

        return carry

    lax.fori_loop(0, RT // HDEPTH, body, 0)
    plsc.subcore_barrier()

    @pl.when(s == 0)
    def _():
        pltpu.sync_copy(hist_sh, out_hbm.at[c])


@functools.partial(
    pl.kernel,
    out_type=jax.ShapeDtypeStruct((2, NC, NP, FH), jnp.float32),
    mesh=_mesh,
    compiler_params=pltpu.CompilerParams(use_tc_tiling_on_sc=False),
    scratch_types=[
        pltpu.VMEM((RT, 128), jnp.int32),
        pltpu.VMEM((RT, 128), jnp.int32),
        pltpu.VMEM((NBUF, 128, FH), jnp.float32),
        pltpu.VMEM_SHARED((NP, FH), jnp.float32),
        pltpu.VMEM_SHARED((NP, FH), jnp.float32),
    ] + [pltpu.SemaphoreType.DMA] * (2 * NBUF),
)
def _agg_kernel(
    y0_hbm, y1_hbm, ei_hbm, zeros_hbm, out_hbm,
    src_v, dst_v, rows_v, ytab_sh, acc_sh, *sems
):
    gsem = sems[:NBUF]
    ssem = sems[NBUF:]
    c = lax.axis_index("c")
    s = lax.axis_index("s")
    wid = c * NS + s
    pltpu.sync_copy(ei_hbm.at[0, pl.ds(wid * RT, RT)], src_v)
    pltpu.sync_copy(ei_hbm.at[1, pl.ds(wid * RT, RT)], dst_v)

    for p, y_hbm in ((0, y0_hbm), (1, y1_hbm)):
        pltpu.sync_copy(
            y_hbm.at[pl.ds(s * STRIPE, STRIPE)], ytab_sh.at[pl.ds(s * STRIPE, STRIPE)]
        )

        @pl.when(c == 0)
        def _():
            pltpu.sync_copy(
                y_hbm.at[pl.ds(s * STRIPE, STRIPE)], acc_sh.at[pl.ds(s * STRIPE, STRIPE)]
            )

        @pl.when(c == 1)
        def _():
            pltpu.sync_copy(
                zeros_hbm.at[pl.ds(s * STRIPE, STRIPE)],
                acc_sh.at[pl.ds(s * STRIPE, STRIPE)],
            )

        plsc.subcore_barrier()

        for b in range(NBUF):
            pltpu.async_copy(ytab_sh.at[src_v.at[b]], rows_v.at[b], gsem[b])

        def step(g, carry):
            base = g * NBUF
            for b in range(NBUF):
                j = base + b
                pltpu.make_async_copy(
                    ytab_sh.at[src_v.at[0]], rows_v.at[b], gsem[b]
                ).wait()
                pltpu.async_copy(rows_v.at[b], acc_sh.at[dst_v.at[j]], ssem[b], add=True)
            for b in range(NBUF):
                jn = base + NBUF + b

                @pl.when(jn < RT)
                def _():
                    pltpu.make_async_copy(
                        rows_v.at[b], acc_sh.at[dst_v.at[0]], ssem[b]
                    ).wait()
                    pltpu.async_copy(ytab_sh.at[src_v.at[jn]], rows_v.at[b], gsem[b])

            return carry

        lax.fori_loop(0, RT // NBUF, step, 0)
        for b in range(NBUF):
            pltpu.make_async_copy(rows_v.at[b], acc_sh.at[dst_v.at[0]], ssem[b]).wait()
        plsc.subcore_barrier()
        pltpu.sync_copy(
            acc_sh.at[pl.ds(s * STRIPE, STRIPE)],
            out_hbm.at[p, c, pl.ds(s * STRIPE, STRIPE)],
        )
        if p == 0:
            plsc.subcore_barrier()


def _mm_body(x_ref, w_ref, xw_ref):
    xw_ref[:N] = jnp.dot(x_ref[...], w_ref[...], preferred_element_type=jnp.float32)
    xw_ref[N:] = jnp.zeros((NP - N, F), jnp.float32)


_mm = pl.pallas_call(
    _mm_body,
    out_shape=[jax.ShapeDtypeStruct((NP, F), jnp.float32)],
)


def _dcol(h_ref):
    deg = h_ref[0] + h_ref[1] + 1.0
    d = lax.rsqrt(deg)
    return d[:NB][:, :, None]


def _scale_body(xw_ref, h_ref, y0_ref, y1_ref):
    y3 = xw_ref[...].reshape(NB, 128, F) * _dcol(h_ref)
    y = y3.reshape(NP, F)
    y0_ref[...] = y[:, :FH]
    y1_ref[...] = y[:, FH:]


_scale = pl.pallas_call(
    _scale_body,
    out_shape=[
        jax.ShapeDtypeStruct((NP, FH), jnp.float32),
        jax.ShapeDtypeStruct((NP, FH), jnp.float32),
    ],
)


def _fin_body(acc_ref, h_ref, b_ref, relu_ref, out_ref):
    dc = _dcol(h_ref)
    t0 = ((acc_ref[0, 0] + acc_ref[0, 1]).reshape(NB, 128, FH) * dc).reshape(NP, FH)
    t1 = ((acc_ref[1, 0] + acc_ref[1, 1]).reshape(NB, 128, FH) * dc).reshape(NP, FH)
    o0 = t0[:N] + b_ref[:, :FH]
    o1 = t1[:N] + b_ref[:, FH:]
    out_ref[:, :FH] = o0
    out_ref[:, FH:] = o1
    relu_ref[:, :FH] = jnp.maximum(o0, 0.0)
    relu_ref[:, FH:] = jnp.maximum(o1, 0.0)


_fin = pl.pallas_call(
    _fin_body,
    out_shape=[
        jax.ShapeDtypeStruct((N, F), jnp.float32),
        jax.ShapeDtypeStruct((N, F), jnp.float32),
    ],
)


def kernel(x, edge_index, W, b):
    ei_p = jnp.pad(edge_index, ((0, 0), (0, EP - E)), constant_values=N)
    ei_p = ei_p.reshape(2, EP // 128, 128)
    zeros_np = jnp.zeros((NP, FH), jnp.float32)
    zh = jnp.zeros((16384,), jnp.float32)

    hist = _deg_kernel(ei_p, zh).reshape(NC, 128, 128)
    (xw,) = _mm(x, W)
    y0, y1 = _scale(xw, hist)
    acc = _agg_kernel(y0, y1, ei_p, zeros_np)
    relu_o, o = _fin(acc, hist, b.reshape(1, F))
    return (relu_o, o)

# --- scband reference (transcript-rebuilt; emitter-appended) ---
"""Pipeline reference for scband-gnnlayer-77850577207791 (READ-ONLY COPY).

The authoritative reference and input builder live on the scoring server;
editing this copy changes nothing except your own understanding.
"""

import jax, jax.numpy as jnp
import numpy as np

N_NODES = 10000
N_EDGES = 320000
IN_FEATS = 128
OUT_FEATS = 128


def setup_inputs(seed: int = 0) -> dict:
    key = jax.random.key(seed)
    k1, k2, k3 = jax.random.split(key, 3)
    x = jax.random.normal(k1, (N_NODES, IN_FEATS), dtype=jnp.float32)
    edge_index = jax.random.randint(k2, (2, N_EDGES), 0, N_NODES, dtype=jnp.int32)
    # GCNConv linear weight (glorot uniform) and bias (zeros), matching PyG defaults
    limit = float(np.sqrt(6.0 / (IN_FEATS + OUT_FEATS)))
    W = jax.random.uniform(k3, (IN_FEATS, OUT_FEATS), dtype=jnp.float32, minval=-limit, maxval=limit)
    b = jnp.zeros((OUT_FEATS,), dtype=jnp.float32)
    return {"x": x, "edge_index": edge_index, "W": W, "b": b}


def reference(x, edge_index, W, b):
    # Faithful GCNConv (PyG defaults: add_self_loops=True, normalize=True, bias=True)
    n = x.shape[0]
    loop = jnp.arange(n, dtype=edge_index.dtype)
    row = jnp.concatenate([edge_index[0], loop])  # src
    col = jnp.concatenate([edge_index[1], loop])  # dst
    # linear transform
    x_lin = x @ W
    # symmetric normalization: deg computed on dst with unit edge weights
    ones = jnp.ones(row.shape[0], dtype=x.dtype)
    deg = jax.ops.segment_sum(ones, col, num_segments=n)
    deg_inv_sqrt = jnp.where(deg > 0, deg ** -0.5, 0.0)
    norm = deg_inv_sqrt[row] * deg_inv_sqrt[col]
    # gather messages from src, scale, scatter-add to dst
    msgs = x_lin[row] * norm[:, None]
    aggregated = jax.ops.segment_sum(msgs, col, num_segments=n)
    out = aggregated + b
    return (jax.nn.relu(out), out)

if __name__ == "__main__":
    import jax
    _d = setup_inputs()
    print(jax.jit(kernel)(*tuple(_d.values())))

</pallas_src>

<mosaic_0001>
#map = affine_map<(d0, d1) -> (0, 0)>
#map1 = affine_map<(d0, d1) -> (0, 0, 0)>
#map2 = affine_map<(d0, d1) -> (0, 0, 0, 0)>
module attributes {stable_mosaic.version = 14 : i64} {
  func.func @_agg_kernel(%arg0: i32, %arg1: i32, %arg2: memref<10112x64xf32, #tpu.memory_space<hbm>>, %arg3: memref<10112x64xf32, #tpu.memory_space<hbm>>, %arg4: memref<2x2560x128xi32, #tpu.memory_space<hbm>>, %arg5: memref<10112x64xf32, #tpu.memory_space<hbm>>, %arg6: memref<2x2x10112x64xf32, #tpu.memory_space<hbm>>, %arg7: memref<80x128xi32, #tpu.memory_space<vmem>>, %arg8: memref<80x128xi32, #tpu.memory_space<vmem>>, %arg9: memref<2x128x64xf32, #tpu.memory_space<vmem>>, %arg10: memref<10112x64xf32, #tpu.memory_space<vmem_shared>>, %arg11: memref<10112x64xf32, #tpu.memory_space<vmem_shared>>, %arg12: memref<!tpu.dma_semaphore, #tpu.memory_space<semaphore_mem>>, %arg13: memref<!tpu.dma_semaphore, #tpu.memory_space<semaphore_mem>>, %arg14: memref<!tpu.dma_semaphore, #tpu.memory_space<semaphore_mem>>, %arg15: memref<!tpu.dma_semaphore, #tpu.memory_space<semaphore_mem>>) attributes {dimension_semantics = [#tpu.dimension_semantics<core_parallel>, #tpu.dimension_semantics<subcore_parallel>], iteration_bounds = array<i64: 2, 16>, scalar_prefetch = 0 : i64, scratch_operands = 9 : i64, tpu.core_type = #tpu.core_type<sc_vector_subcore>, window_params = [{transform_indices = #map}, {transform_indices = #map}, {transform_indices = #map1}, {transform_indices = #map}, {transform_indices = #map2}]} {
    %mul3A = arith.constant 16 : i32
    %mul3A_0 = arith.muli %arg0, %mul3A : i32
    %add3A = arith.addi %mul3A_0, %arg1 : i32
    %mul3A_1 = arith.constant 80 : i32
    %mul3A_2 = arith.muli %add3A, %mul3A_1 : i32
    %run_scoped3A = arith.constant 0 : i32
    "tpu.region"() ({
      %run_scoped3A_150 = tpu.sem_alloc : memref<!tpu.dma_semaphore, #tpu.memory_space<semaphore_mem>>
      %dma_start3A_151 = arith.constant 0 : i32
      %dma_start3A_152 = tpu.memref_slice %arg4[%run_scoped3A, %mul3A_2, %dma_start3A_151] : memref<2x2560x128xi32, #tpu.memory_space<hbm>> -> memref<1x80x128xi32, #tpu.memory_space<hbm>>
      %dma_start3A_153 = tpu.memref_squeeze %dma_start3A_152 : memref<1x80x128xi32, #tpu.memory_space<hbm>> -> memref<80x128xi32, #tpu.memory_space<hbm>>
      %dma_start3A_154 = arith.constant 0 : i32
      %dma_start3A_155 = tpu.memref_slice %arg4[%run_scoped3A, %mul3A_2, %dma_start3A_154] : memref<2x2560x128xi32, #tpu.memory_space<hbm>> -> memref<1x80x128xi32, #tpu.memory_space<hbm>>
      %dma_start3A_156 = tpu.memref_squeeze %dma_start3A_155 : memref<1x80x128xi32, #tpu.memory_space<hbm>> -> memref<80x128xi32, #tpu.memory_space<hbm>>
      tpu.enqueue_dma source(%dma_start3A_156 : memref<80x128xi32, #tpu.memory_space<hbm>>) target(%arg7 : memref<80x128xi32, #tpu.memory_space<vmem>>) target_semaphore(%run_scoped3A_150 : memref<!tpu.dma_semaphore, #tpu.memory_space<semaphore_mem>>)
      %dma_wait3A_157 = arith.constant 0 : i32
      %dma_wait3A_158 = tpu.memref_slice %arg4[%run_scoped3A, %mul3A_2, %dma_wait3A_157] : memref<2x2560x128xi32, #tpu.memory_space<hbm>> -> memref<1x80x128xi32, #tpu.memory_space<hbm>>
      %dma_wait3A_159 = tpu.memref_squeeze %dma_wait3A_158 : memref<1x80x128xi32, #tpu.memory_space<hbm>> -> memref<80x128xi32, #tpu.memory_space<hbm>>
      %dma_wait3A_160 = arith.constant 0 : i32
      %dma_wait3A_161 = tpu.memref_slice %arg4[%run_scoped3A, %mul3A_2, %dma_wait3A_160] : memref<2x2560x128xi32, #tpu.memory_space<hbm>> -> memref<1x80x128xi32, #tpu.memory_space<hbm>>
      %dma_wait3A_162 = tpu.memref_squeeze %dma_wait3A_161 : memref<1x80x128xi32, #tpu.memory_space<hbm>> -> memref<80x128xi32, #tpu.memory_space<hbm>>
      tpu.wait_dma2 semaphore(%run_scoped3A_150 : memref<!tpu.dma_semaphore, #tpu.memory_space<semaphore_mem>>) src(%dma_wait3A_162 : memref<80x128xi32, #tpu.memory_space<hbm>>) dst(%arg7 : memref<80x128xi32, #tpu.memory_space<vmem>>)
      tpu.yield
    }) : () -> ()
    %mul3A_3 = arith.constant 80 : i32
    %mul3A_4 = arith.muli %add3A, %mul3A_3 : i32
    %run_scoped3A_5 = arith.constant 1 : i32
    "tpu.region"() ({
      %run_scoped3A_150 = tpu.sem_alloc : memref<!tpu.dma_semaphore, #tpu.memory_space<semaphore_mem>>
      %dma_start3A_151 = arith.constant 0 : i32
      %dma_start3A_152 = tpu.memref_slice %arg4[%run_scoped3A_5, %mul3A_4, %dma_start3A_151] : memref<2x2560x128xi32, #tpu.memory_space<hbm>> -> memref<1x80x128xi32, #tpu.memory_space<hbm>>
      %dma_start3A_153 = tpu.memref_squeeze %dma_start3A_152 : memref<1x80x128xi32, #tpu.memory_space<hbm>> -> memref<80x128xi32, #tpu.memory_space<hbm>>
      %dma_start3A_154 = arith.constant 0 : i32
      %dma_start3A_155 = tpu.memref_slice %arg4[%run_scoped3A_5, %mul3A_4, %dma_start3A_154] : memref<2x2560x128xi32, #tpu.memory_space<hbm>> -> memref<1x80x128xi32, #tpu.memory_space<hbm>>
      %dma_start3A_156 = tpu.memref_squeeze %dma_start3A_155 : memref<1x80x128xi32, #tpu.memory_space<hbm>> -> memref<80x128xi32, #tpu.memory_space<hbm>>
      tpu.enqueue_dma source(%dma_start3A_156 : memref<80x128xi32, #tpu.memory_space<hbm>>) target(%arg8 : memref<80x128xi32, #tpu.memory_space<vmem>>) target_semaphore(%run_scoped3A_150 : memref<!tpu.dma_semaphore, #tpu.memory_space<semaphore_mem>>)
      %dma_wait3A_157 = arith.constant 0 : i32
      %dma_wait3A_158 = tpu.memref_slice %arg4[%run_scoped3A_5, %mul3A_4, %dma_wait3A_157] : memref<2x2560x128xi32, #tpu.memory_space<hbm>> -> memref<1x80x128xi32, #tpu.memory_space<hbm>>
      %dma_wait3A_159 = tpu.memref_squeeze %dma_wait3A_158 : memref<1x80x128xi32, #tpu.memory_space<hbm>> -> memref<80x128xi32, #tpu.memory_space<hbm>>
      %dma_wait3A_160 = arith.constant 0 : i32
      %dma_wait3A_161 = tpu.memref_slice %arg4[%run_scoped3A_5, %mul3A_4, %dma_wait3A_160] : memref<2x2560x128xi32, #tpu.memory_space<hbm>> -> memref<1x80x128xi32, #tpu.memory_space<hbm>>
      %dma_wait3A_162 = tpu.memref_squeeze %dma_wait3A_161 : memref<1x80x128xi32, #tpu.memory_space<hbm>> -> memref<80x128xi32, #tpu.memory_space<hbm>>
      tpu.wait_dma2 semaphore(%run_scoped3A_150 : memref<!tpu.dma_semaphore, #tpu.memory_space<semaphore_mem>>) src(%dma_wait3A_162 : memref<80x128xi32, #tpu.memory_space<hbm>>) dst(%arg8 : memref<80x128xi32, #tpu.memory_space<vmem>>)
      tpu.yield
    }) : () -> ()
    %mul3A_6 = arith.constant 632 : i32
    %mul3A_7 = arith.muli %arg1, %mul3A_6 : i32
    %mul3A_8 = arith.constant 632 : i32
    %mul3A_9 = arith.muli %arg1, %mul3A_8 : i32
    "tpu.region"() ({
      %run_scoped3A_150 = tpu.sem_alloc : memref<!tpu.dma_semaphore, #tpu.memory_space<semaphore_mem>>
      %dma_start3A_151 = arith.constant 0 : i32
      %dma_start3A_152 = tpu.memref_slice %arg10[%mul3A_9, %dma_start3A_151] : memref<10112x64xf32, #tpu.memory_space<vmem_shared>> -> memref<632x64xf32, #tpu.memory_space<vmem_shared>>
      %dma_start3A_153 = arith.constant 0 : i32
      %dma_start3A_154 = tpu.memref_slice %arg2[%mul3A_7, %dma_start3A_153] : memref<10112x64xf32, #tpu.memory_space<hbm>> -> memref<632x64xf32, #tpu.memory_space<hbm>>
      tpu.enqueue_dma source(%dma_start3A_154 : memref<632x64xf32, #tpu.memory_space<hbm>>) target(%dma_start3A_152 : memref<632x64xf32, #tpu.memory_space<vmem_shared>>) target_semaphore(%run_scoped3A_150 : memref<!tpu.dma_semaphore, #tpu.memory_space<semaphore_mem>>)
      %dma_wait3A_155 = arith.constant 0 : i32
      %dma_wait3A_156 = tpu.memref_slice %arg10[%mul3A_9, %dma_wait3A_155] : memref<10112x64xf32, #tpu.memory_space<vmem_shared>> -> memref<632x64xf32, #tpu.memory_space<vmem_shared>>
      %dma_wait3A_157 = arith.constant 0 : i32
      %dma_wait3A_158 = tpu.memref_slice %arg2[%mul3A_7, %dma_wait3A_157] : memref<10112x64xf32, #tpu.memory_space<hbm>> -> memref<632x64xf32, #tpu.memory_space<hbm>>
      tpu.wait_dma2 semaphore(%run_scoped3A_150 : memref<!tpu.dma_semaphore, #tpu.memory_space<semaphore_mem>>) src(%dma_wait3A_158 : memref<632x64xf32, #tpu.memory_space<hbm>>) dst(%dma_wait3A_156 : memref<632x64xf32, #tpu.memory_space<vmem_shared>>)
      tpu.yield
    }) : () -> ()
    %eq3A = arith.constant 0 : i32
    %eq3A_10 = arith.cmpi eq, %arg0, %eq3A : i32
    %convert_element_type3A = arith.extui %eq3A_10 : i1 to i32
    %cond3A = arith.constant 0 : i32
    %cond3A_11 = arith.cmpi ne, %convert_element_type3A, %cond3A : i32
    scf.if %cond3A_11 {
      %mul3A_150 = arith.constant 632 : i32
      %mul3A_151 = arith.muli %arg1, %mul3A_150 : i32
      %mul3A_152 = arith.constant 632 : i32
      %mul3A_153 = arith.muli %arg1, %mul3A_152 : i32
      "tpu.region"() ({
        %run_scoped3A_154 = tpu.sem_alloc : memref<!tpu.dma_semaphore, #tpu.memory_space<semaphore_mem>>
        %dma_start3A_155 = arith.constant 0 : i32
        %dma_start3A_156 = tpu.memref_slice %arg11[%mul3A_153, %dma_start3A_155] : memref<10112x64xf32, #tpu.memory_space<vmem_shared>> -> memref<632x64xf32, #tpu.memory_space<vmem_shared>>
        %dma_start3A_157 = arith.constant 0 : i32
        %dma_start3A_158 = tpu.memref_slice %arg2[%mul3A_151, %dma_start3A_157] : memref<10112x64xf32, #tpu.memory_space<hbm>> -> memref<632x64xf32, #tpu.memory_space<hbm>>
        tpu.enqueue_dma source(%dma_start3A_158 : memref<632x64xf32, #tpu.memory_space<hbm>>) target(%dma_start3A_156 : memref<632x64xf32, #tpu.memory_space<vmem_shared>>) target_semaphore(%run_scoped3A_154 : memref<!tpu.dma_semaphore, #tpu.memory_space<semaphore_mem>>)
        %dma_wait3A_159 = arith.constant 0 : i32
        %dma_wait3A_160 = tpu.memref_slice %arg11[%mul3A_153, %dma_wait3A_159] : memref<10112x64xf32, #tpu.memory_space<vmem_shared>> -> memref<632x64xf32, #tpu.memory_space<vmem_shared>>
        %dma_wait3A_161 = arith.constant 0 : i32
        %dma_wait3A_162 = tpu.memref_slice %arg2[%mul3A_151, %dma_wait3A_161] : memref<10112x64xf32, #tpu.memory_space<hbm>> -> memref<632x64xf32, #tpu.memory_space<hbm>>
        tpu.wait_dma2 semaphore(%run_scoped3A_154 : memref<!tpu.dma_semaphore, #tpu.memory_space<semaphore_mem>>) src(%dma_wait3A_162 : memref<632x64xf32, #tpu.memory_space<hbm>>) dst(%dma_wait3A_160 : memref<632x64xf32, #tpu.memory_space<vmem_shared>>)
        tpu.yield
      }) : () -> ()
    } else {
    }
    %eq3A_12 = arith.constant 1 : i32
    %eq3A_13 = arith.cmpi eq, %arg0, %eq3A_12 : i32
    %convert_element_type3A_14 = arith.extui %eq3A_13 : i1 to i32
    %cond3A_15 = arith.constant 0 : i32
    %cond3A_16 = arith.cmpi ne, %convert_element_type3A_14, %cond3A_15 : i32
    scf.if %cond3A_16 {
      %mul3A_150 = arith.constant 632 : i32
      %mul3A_151 = arith.muli %arg1, %mul3A_150 : i32
      %mul3A_152 = arith.constant 632 : i32
      %mul3A_153 = arith.muli %arg1, %mul3A_152 : i32
      "tpu.region"() ({
        %run_scoped3A_154 = tpu.sem_alloc : memref<!tpu.dma_semaphore, #tpu.memory_space<semaphore_mem>>
        %dma_start3A_155 = arith.constant 0 : i32
        %dma_start3A_156 = tpu.memref_slice %arg11[%mul3A_153, %dma_start3A_155] : memref<10112x64xf32, #tpu.memory_space<vmem_shared>> -> memref<632x64xf32, #tpu.memory_space<vmem_shared>>
        %dma_start3A_157 = arith.constant 0 : i32
        %dma_start3A_158 = tpu.memref_slice %arg5[%mul3A_151, %dma_start3A_157] : memref<10112x64xf32, #tpu.memory_space<hbm>> -> memref<632x64xf32, #tpu.memory_space<hbm>>
        tpu.enqueue_dma source(%dma_start3A_158 : memref<632x64xf32, #tpu.memory_space<hbm>>) target(%dma_start3A_156 : memref<632x64xf32, #tpu.memory_space<vmem_shared>>) target_semaphore(%run_scoped3A_154 : memref<!tpu.dma_semaphore, #tpu.memory_space<semaphore_mem>>)
        %dma_wait3A_159 = arith.constant 0 : i32
        %dma_wait3A_160 = tpu.memref_slice %arg11[%mul3A_153, %dma_wait3A_159] : memref<10112x64xf32, #tpu.memory_space<vmem_shared>> -> memref<632x64xf32, #tpu.memory_space<vmem_shared>>
        %dma_wait3A_161 = arith.constant 0 : i32
        %dma_wait3A_162 = tpu.memref_slice %arg5[%mul3A_151, %dma_wait3A_161] : memref<10112x64xf32, #tpu.memory_space<hbm>> -> memref<632x64xf32, #tpu.memory_space<hbm>>
        tpu.wait_dma2 semaphore(%run_scoped3A_154 : memref<!tpu.dma_semaphore, #tpu.memory_space<semaphore_mem>>) src(%dma_wait3A_162 : memref<632x64xf32, #tpu.memory_space<hbm>>) dst(%dma_wait3A_160 : memref<632x64xf32, #tpu.memory_space<vmem_shared>>)
        tpu.yield
      }) : () -> ()
    } else {
    }
    %barrier3A = arith.constant 0 : index
    tpu.barrier barrier_id(%barrier3A)
    %dma_start3A = arith.constant 0 : i32
    %dma_start3A_17 = arith.constant 0 : i32
    %dma_start3A_18 = arith.constant 0 : i32
    %dma_start3A_19 = arith.constant 0 : i32
    %dma_start3A_20 = tpu.memref_slice %arg9[%dma_start3A_17, %dma_start3A_18, %dma_start3A_19] : memref<2x128x64xf32, #tpu.memory_space<vmem>> -> memref<1x128x64xf32, #tpu.memory_space<vmem>>
    %dma_start3A_21 = tpu.memref_squeeze %dma_start3A_20 : memref<1x128x64xf32, #tpu.memory_space<vmem>> -> memref<128x64xf32, #tpu.memory_space<vmem>>
    %dma_start3A_22 = arith.constant 0 : i32
    %dma_start3A_23 = tpu.memref_slice %arg7[%dma_start3A, %dma_start3A_22] : memref<80x128xi32, #tpu.memory_space<vmem>> -> memref<1x128xi32, #tpu.memory_space<vmem>>
    %dma_start3A_24 = tpu.memref_squeeze %dma_start3A_23 : memref<1x128xi32, #tpu.memory_space<vmem>> -> memref<128xi32, #tpu.memory_space<vmem>>
    %dma_start3A_25 = arith.constant 0 : i32
    %dma_start3A_26 = arith.constant 0 : i32
    %dma_start3A_27 = tpu.memref_slice %arg10[%dma_start3A_25, %dma_start3A_26] : memref<10112x64xf32, #tpu.memory_space<vmem_shared>> -> memref<10112x64xf32, #tpu.memory_space<vmem_shared>>
    tpu.enqueue_indirect_dma source(%dma_start3A_27 : memref<10112x64xf32, #tpu.memory_space<vmem_shared>>) target(%dma_start3A_21 : memref<128x64xf32, #tpu.memory_space<vmem>>) offsets(%dma_start3A_24 : memref<128xi32, #tpu.memory_space<vmem>>) semaphore(%arg12 : memref<!tpu.dma_semaphore, #tpu.memory_space<semaphore_mem>>)
    %dma_start3A_28 = arith.constant 1 : i32
    %dma_start3A_29 = arith.constant 1 : i32
    %dma_start3A_30 = arith.constant 0 : i32
    %dma_start3A_31 = arith.constant 0 : i32
    %dma_start3A_32 = tpu.memref_slice %arg9[%dma_start3A_29, %dma_start3A_30, %dma_start3A_31] : memref<2x128x64xf32, #tpu.memory_space<vmem>> -> memref<1x128x64xf32, #tpu.memory_space<vmem>>
    %dma_start3A_33 = tpu.memref_squeeze %dma_start3A_32 : memref<1x128x64xf32, #tpu.memory_space<vmem>> -> memref<128x64xf32, #tpu.memory_space<vmem>>
    %dma_start3A_34 = arith.constant 0 : i32
    %dma_start3A_35 = tpu.memref_slice %arg7[%dma_start3A_28, %dma_start3A_34] : memref<80x128xi32, #tpu.memory_space<vmem>> -> memref<1x128xi32, #tpu.memory_space<vmem>>
    %dma_start3A_36 = tpu.memref_squeeze %dma_start3A_35 : memref<1x128xi32, #tpu.memory_space<vmem>> -> memref<128xi32, #tpu.memory_space<vmem>>
    %dma_start3A_37 = arith.constant 0 : i32
    %dma_start3A_38 = arith.constant 0 : i32
    %dma_start3A_39 = tpu.memref_slice %arg10[%dma_start3A_37, %dma_start3A_38] : memref<10112x64xf32, #tpu.memory_space<vmem_shared>> -> memref<10112x64xf32, #tpu.memory_space<vmem_shared>>
    tpu.enqueue_indirect_dma source(%dma_start3A_39 : memref<10112x64xf32, #tpu.memory_space<vmem_shared>>) target(%dma_start3A_33 : memref<128x64xf32, #tpu.memory_space<vmem>>) offsets(%dma_start3A_36 : memref<128xi32, #tpu.memory_space<vmem>>) semaphore(%arg13 : memref<!tpu.dma_semaphore, #tpu.memory_space<semaphore_mem>>)
    %scan3A = arith.constant 0 : i32
    %scan3A_40 = arith.constant 0 : i32
    %scan3A_41 = arith.constant 40 : i32
    %scan3A_42 = arith.addi %scan3A_40, %scan3A_41 : i32
    %scan3A_43 = arith.constant 1 : i32
    scf.for %scan3A_150 = %scan3A_40 to %scan3A_42 step %scan3A_43  : i32 {
      %mul3A_151 = arith.constant 2 : i32
      %mul3A_152 = arith.muli %scan3A_150, %mul3A_151 : i32
      %add3A_153 = arith.constant 0 : i32
      %add3A_154 = arith.addi %mul3A_152, %add3A_153 : i32
      %dma_wait3A_155 = arith.constant 0 : i32
      %dma_wait3A_156 = arith.constant 0 : i32
      %dma_wait3A_157 = arith.constant 0 : i32
      %dma_wait3A_158 = arith.constant 0 : i32
      %dma_wait3A_159 = tpu.memref_slice %arg9[%dma_wait3A_156, %dma_wait3A_157, %dma_wait3A_158] : memref<2x128x64xf32, #tpu.memory_space<vmem>> -> memref<1x128x64xf32, #tpu.memory_space<vmem>>
      %dma_wait3A_160 = tpu.memref_squeeze %dma_wait3A_159 : memref<1x128x64xf32, #tpu.memory_space<vmem>> -> memref<128x64xf32, #tpu.memory_space<vmem>>
      %dma_wait3A_161 = arith.constant 0 : i32
      %dma_wait3A_162 = tpu.memref_slice %arg7[%dma_wait3A_155, %dma_wait3A_161] : memref<80x128xi32, #tpu.memory_space<vmem>> -> memref<1x128xi32, #tpu.memory_space<vmem>>
      %dma_wait3A_163 = tpu.memref_squeeze %dma_wait3A_162 : memref<1x128xi32, #tpu.memory_space<vmem>> -> memref<128xi32, #tpu.memory_space<vmem>>
      %dma_wait3A_164 = arith.constant 0 : i32
      %dma_wait3A_165 = arith.constant 0 : i32
      %dma_wait3A_166 = tpu.memref_slice %arg10[%dma_wait3A_164, %dma_wait3A_165] : memref<10112x64xf32, #tpu.memory_space<vmem_shared>> -> memref<10112x64xf32, #tpu.memory_space<vmem_shared>>
      tpu.wait_indirect_dma semaphore(%arg12 : memref<!tpu.dma_semaphore, #tpu.memory_space<semaphore_mem>>) src(%dma_wait3A_166 : memref<10112x64xf32, #tpu.memory_space<vmem_shared>>) dst(%dma_wait3A_160 : memref<128x64xf32, #tpu.memory_space<vmem>>)
      %dma_start3A_167 = arith.constant 0 : i32
      %dma_start3A_168 = arith.constant 0 : i32
      %dma_start3A_169 = arith.constant 0 : i32
      %dma_start3A_170 = tpu.memref_slice %arg9[%dma_start3A_167, %dma_start3A_168, %dma_start3A_169] : memref<2x128x64xf32, #tpu.memory_space<vmem>> -> memref<1x128x64xf32, #tpu.memory_space<vmem>>
      %dma_start3A_171 = tpu.memref_squeeze %dma_start3A_170 : memref<1x128x64xf32, #tpu.memory_space<vmem>> -> memref<128x64xf32, #tpu.memory_space<vmem>>
      %dma_start3A_172 = arith.constant 0 : i32
      %dma_start3A_173 = tpu.memref_slice %arg8[%add3A_154, %dma_start3A_172] : memref<80x128xi32, #tpu.memory_space<vmem>> -> memref<1x128xi32, #tpu.memory_space<vmem>>
      %dma_start3A_174 = tpu.memref_squeeze %dma_start3A_173 : memref<1x128xi32, #tpu.memory_space<vmem>> -> memref<128xi32, #tpu.memory_space<vmem>>
      %dma_start3A_175 = arith.constant 0 : i32
      %dma_start3A_176 = arith.constant 0 : i32
      %dma_start3A_177 = tpu.memref_slice %arg11[%dma_start3A_175, %dma_start3A_176] : memref<10112x64xf32, #tpu.memory_space<vmem_shared>> -> memref<10112x64xf32, #tpu.memory_space<vmem_shared>>
      tpu.enqueue_indirect_dma source(%dma_start3A_171 : memref<128x64xf32, #tpu.memory_space<vmem>>) target(%dma_start3A_177 : memref<10112x64xf32, #tpu.memory_space<vmem_shared>>) offsets(%dma_start3A_174 : memref<128xi32, #tpu.memory_space<vmem>>) semaphore(%arg14 : memref<!tpu.dma_semaphore, #tpu.memory_space<semaphore_mem>>) {add = true}
      %add3A_178 = arith.constant 1 : i32
      %add3A_179 = arith.addi %mul3A_152, %add3A_178 : i32
      %dma_wait3A_180 = arith.constant 0 : i32
      %dma_wait3A_181 = arith.constant 1 : i32
      %dma_wait3A_182 = arith.constant 0 : i32
      %dma_wait3A_183 = arith.constant 0 : i32
      %dma_wait3A_184 = tpu.memref_slice %arg9[%dma_wait3A_181, %dma_wait3A_182, %dma_wait3A_183] : memref<2x128x64xf32, #tpu.memory_space<vmem>> -> memref<1x128x64xf32, #tpu.memory_space<vmem>>
      %dma_wait3A_185 = tpu.memref_squeeze %dma_wait3A_184 : memref<1x128x64xf32, #tpu.memory_space<vmem>> -> memref<128x64xf32, #tpu.memory_space<vmem>>
      %dma_wait3A_186 = arith.constant 0 : i32
      %dma_wait3A_187 = tpu.memref_slice %arg7[%dma_wait3A_180, %dma_wait3A_186] : memref<80x128xi32, #tpu.memory_space<vmem>> -> memref<1x128xi32, #tpu.memory_space<vmem>>
      %dma_wait3A_188 = tpu.memref_squeeze %dma_wait3A_187 : memref<1x128xi32, #tpu.memory_space<vmem>> -> memref<128xi32, #tpu.memory_space<vmem>>
      %dma_wait3A_189 = arith.constant 0 : i32
      %dma_wait3A_190 = arith.constant 0 : i32
      %dma_wait3A_191 = tpu.memref_slice %arg10[%dma_wait3A_189, %dma_wait3A_190] : memref<10112x64xf32, #tpu.memory_space<vmem_shared>> -> memref<10112x64xf32, #tpu.memory_space<vmem_shared>>
      tpu.wait_indirect_dma semaphore(%arg13 : memref<!tpu.dma_semaphore, #tpu.memory_space<semaphore_mem>>) src(%dma_wait3A_191 : memref<10112x64xf32, #tpu.memory_space<vmem_shared>>) dst(%dma_wait3A_185 : memref<128x64xf32, #tpu.memory_space<vmem>>)
      %dma_start3A_192 = arith.constant 1 : i32
      %dma_start3A_193 = arith.constant 0 : i32
      %dma_start3A_194 = arith.constant 0 : i32
      %dma_start3A_195 = tpu.memref_slice %arg9[%dma_start3A_192, %dma_start3A_193, %dma_start3A_194] : memref<2x128x64xf32, #tpu.memory_space<vmem>> -> memref<1x128x64xf32, #tpu.memory_space<vmem>>
      %dma_start3A_196 = tpu.memref_squeeze %dma_start3A_195 : memref<1x128x64xf32, #tpu.memory_space<vmem>> -> memref<128x64xf32, #tpu.memory_space<vmem>>
      %dma_start3A_197 = arith.constant 0 : i32
      %dma_start3A_198 = tpu.memref_slice %arg8[%add3A_179, %dma_start3A_197] : memref<80x128xi32, #tpu.memory_space<vmem>> -> memref<1x128xi32, #tpu.memory_space<vmem>>
      %dma_start3A_199 = tpu.memref_squeeze %dma_start3A_198 : memref<1x128xi32, #tpu.memory_space<vmem>> -> memref<128xi32, #tpu.memory_space<vmem>>
      %dma_start3A_200 = arith.constant 0 : i32
      %dma_start3A_201 = arith.constant 0 : i32
      %dma_start3A_202 = tpu.memref_slice %arg11[%dma_start3A_200, %dma_start3A_201] : memref<10112x64xf32, #tpu.memory_space<vmem_shared>> -> memref<10112x64xf32, #tpu.memory_space<vmem_shared>>
      tpu.enqueue_indirect_dma source(%dma_start3A_196 : memref<128x64xf32, #tpu.memory_space<vmem>>) target(%dma_start3A_202 : memref<10112x64xf32, #tpu.memory_space<vmem_shared>>) offsets(%dma_start3A_199 : memref<128xi32, #tpu.memory_space<vmem>>) semaphore(%arg15 : memref<!tpu.dma_semaphore, #tpu.memory_space<semaphore_mem>>) {add = true}
      %add3A_203 = arith.constant 2 : i32
      %add3A_204 = arith.addi %mul3A_152, %add3A_203 : i32
      %add3A_205 = arith.constant 0 : i32
      %add3A_206 = arith.addi %add3A_204, %add3A_205 : i32
      %lt3A = arith.constant 80 : i32
      %lt3A_207 = arith.cmpi slt, %add3A_206, %lt3A : i32
      %convert_element_type3A_208 = arith.extui %lt3A_207 : i1 to i32
      %cond3A_209 = arith.constant 0 : i32
      %cond3A_210 = arith.cmpi ne, %convert_element_type3A_208, %cond3A_209 : i32
      scf.if %cond3A_210 {
        %dma_wait3A_220 = arith.constant 0 : i32
        %dma_wait3A_221 = arith.constant 0 : i32
        %dma_wait3A_222 = arith.constant 0 : i32
        %dma_wait3A_223 = arith.constant 0 : i32
        %dma_wait3A_224 = tpu.memref_slice %arg9[%dma_wait3A_220, %dma_wait3A_222, %dma_wait3A_223] : memref<2x128x64xf32, #tpu.memory_space<vmem>> -> memref<1x128x64xf32, #tpu.memory_space<vmem>>
        %dma_wait3A_225 = tpu.memref_squeeze %dma_wait3A_224 : memref<1x128x64xf32, #tpu.memory_space<vmem>> -> memref<128x64xf32, #tpu.memory_space<vmem>>
        %dma_wait3A_226 = arith.constant 0 : i32
        %dma_wait3A_227 = tpu.memref_slice %arg8[%dma_wait3A_221, %dma_wait3A_226] : memref<80x128xi32, #tpu.memory_space<vmem>> -> memref<1x128xi32, #tpu.memory_space<vmem>>
        %dma_wait3A_228 = tpu.memref_squeeze %dma_wait3A_227 : memref<1x128xi32, #tpu.memory_space<vmem>> -> memref<128xi32, #tpu.memory_space<vmem>>
        %dma_wait3A_229 = arith.constant 0 : i32
        %dma_wait3A_230 = arith.constant 0 : i32
        %dma_wait3A_231 = tpu.memref_slice %arg11[%dma_wait3A_229, %dma_wait3A_230] : memref<10112x64xf32, #tpu.memory_space<vmem_shared>> -> memref<10112x64xf32, #tpu.memory_space<vmem_shared>>
        tpu.wait_indirect_dma semaphore(%arg14 : memref<!tpu.dma_semaphore, #tpu.memory_space<semaphore_mem>>) src(%dma_wait3A_225 : memref<128x64xf32, #tpu.memory_space<vmem>>) dst(%dma_wait3A_231 : memref<10112x64xf32, #tpu.memory_space<vmem_shared>>)
        %dma_start3A_232 = arith.constant 0 : i32
        %dma_start3A_233 = arith.constant 0 : i32
        %dma_start3A_234 = arith.constant 0 : i32
        %dma_start3A_235 = tpu.memref_slice %arg9[%dma_start3A_232, %dma_start3A_233, %dma_start3A_234] : memref<2x128x64xf32, #tpu.memory_space<vmem>> -> memref<1x128x64xf32, #tpu.memory_space<vmem>>
        %dma_start3A_236 = tpu.memref_squeeze %dma_start3A_235 : memref<1x128x64xf32, #tpu.memory_space<vmem>> -> memref<128x64xf32, #tpu.memory_space<vmem>>
        %dma_start3A_237 = arith.constant 0 : i32
        %dma_start3A_238 = tpu.memref_slice %arg7[%add3A_206, %dma_start3A_237] : memref<80x128xi32, #tpu.memory_space<vmem>> -> memref<1x128xi32, #tpu.memory_space<vmem>>
        %dma_start3A_239 = tpu.memref_squeeze %dma_start3A_238 : memref<1x128xi32, #tpu.memory_space<vmem>> -> memref<128xi32, #tpu.memory_space<vmem>>
        %dma_start3A_240 = arith.constant 0 : i32
        %dma_start3A_241 = arith.constant 0 : i32
        %dma_start3A_242 = tpu.memref_slice %arg10[%dma_start3A_240, %dma_start3A_241] : memref<10112x64xf32, #tpu.memory_space<vmem_shared>> -> memref<10112x64xf32, #tpu.memory_space<vmem_shared>>
        tpu.enqueue_indirect_dma source(%dma_start3A_242 : memref<10112x64xf32, #tpu.memory_space<vmem_shared>>) target(%dma_start3A_236 : memref<128x64xf32, #tpu.memory_space<vmem>>) offsets(%dma_start3A_239 : memref<128xi32, #tpu.memory_space<vmem>>) semaphore(%arg12 : memref<!tpu.dma_semaphore, #tpu.memory_space<semaphore_mem>>)
      } else {
      }
      %add3A_211 = arith.constant 2 : i32
      %add3A_212 = arith.addi %mul3A_152, %add3A_211 : i32
      %add3A_213 = arith.constant 1 : i32
      %add3A_214 = arith.addi %add3A_212, %add3A_213 : i32
      %lt3A_215 = arith.constant 80 : i32
      %lt3A_216 = arith.cmpi slt, %add3A_214, %lt3A_215 : i32
      %convert_element_type3A_217 = arith.extui %lt3A_216 : i1 to i32
      %cond3A_218 = arith.constant 0 : i32
      %cond3A_219 = arith.cmpi ne, %convert_element_type3A_217, %cond3A_218 : i32
      scf.if %cond3A_219 {
        %dma_wait3A_220 = arith.constant 1 : i32
        %dma_wait3A_221 = arith.constant 0 : i32
        %dma_wait3A_222 = arith.constant 0 : i32
        %dma_wait3A_223 = arith.constant 0 : i32
        %dma_wait3A_224 = tpu.memref_slice %arg9[%dma_wait3A_220, %dma_wait3A_222, %dma_wait3A_223] : memref<2x128x64xf32, #tpu.memory_space<vmem>> -> memref<1x128x64xf32, #tpu.memory_space<vmem>>
        %dma_wait3A_225 = tpu.memref_squeeze %dma_wait3A_224 : memref<1x128x64xf32, #tpu.memory_space<vmem>> -> memref<128x64xf32, #tpu.memory_space<vmem>>
        %dma_wait3A_226 = arith.constant 0 : i32
        %dma_wait3A_227 = tpu.memref_slice %arg8[%dma_wait3A_221, %dma_wait3A_226] : memref<80x128xi32, #tpu.memory_space<vmem>> -> memref<1x128xi32, #tpu.memory_space<vmem>>
        %dma_wait3A_228 = tpu.memref_squeeze %dma_wait3A_227 : memref<1x128xi32, #tpu.memory_space<vmem>> -> memref<128xi32, #tpu.memory_space<vmem>>
        %dma_wait3A_229 = arith.constant 0 : i32
        %dma_wait3A_230 = arith.constant 0 : i32
        %dma_wait3A_231 = tpu.memref_slice %arg11[%dma_wait3A_229, %dma_wait3A_230] : memref<10112x64xf32, #tpu.memory_space<vmem_shared>> -> memref<10112x64xf32, #tpu.memory_space<vmem_shared>>
        tpu.wait_indirect_dma semaphore(%arg15 : memref<!tpu.dma_semaphore, #tpu.memory_space<semaphore_mem>>) src(%dma_wait3A_225 : memref<128x64xf32, #tpu.memory_space<vmem>>) dst(%dma_wait3A_231 : memref<10112x64xf32, #tpu.memory_space<vmem_shared>>)
        %dma_start3A_232 = arith.constant 1 : i32
        %dma_start3A_233 = arith.constant 0 : i32
        %dma_start3A_234 = arith.constant 0 : i32
        %dma_start3A_235 = tpu.memref_slice %arg9[%dma_start3A_232, %dma_start3A_233, %dma_start3A_234] : memref<2x128x64xf32, #tpu.memory_space<vmem>> -> memref<1x128x64xf32, #tpu.memory_space<vmem>>
        %dma_start3A_236 = tpu.memref_squeeze %dma_start3A_235 : memref<1x128x64xf32, #tpu.memory_space<vmem>> -> memref<128x64xf32, #tpu.memory_space<vmem>>
        %dma_start3A_237 = arith.constant 0 : i32
        %dma_start3A_238 = tpu.memref_slice %arg7[%add3A_214, %dma_start3A_237] : memref<80x128xi32, #tpu.memory_space<vmem>> -> memref<1x128xi32, #tpu.memory_space<vmem>>
        %dma_start3A_239 = tpu.memref_squeeze %dma_start3A_238 : memref<1x128xi32, #tpu.memory_space<vmem>> -> memref<128xi32, #tpu.memory_space<vmem>>
        %dma_start3A_240 = arith.constant 0 : i32
        %dma_start3A_241 = arith.constant 0 : i32
        %dma_start3A_242 = tpu.memref_slice %arg10[%dma_start3A_240, %dma_start3A_241] : memref<10112x64xf32, #tpu.memory_space<vmem_shared>> -> memref<10112x64xf32, #tpu.memory_space<vmem_shared>>
        tpu.enqueue_indirect_dma source(%dma_start3A_242 : memref<10112x64xf32, #tpu.memory_space<vmem_shared>>) target(%dma_start3A_236 : memref<128x64xf32, #tpu.memory_space<vmem>>) offsets(%dma_start3A_239 : memref<128xi32, #tpu.memory_space<vmem>>) semaphore(%arg13 : memref<!tpu.dma_semaphore, #tpu.memory_space<semaphore_mem>>)
      } else {
      }
    }
    %scan3A_44 = arith.constant 40 : i32
    %dma_wait3A = arith.constant 0 : i32
    %dma_wait3A_45 = arith.constant 0 : i32
    %dma_wait3A_46 = arith.constant 0 : i32
    %dma_wait3A_47 = arith.constant 0 : i32
    %dma_wait3A_48 = tpu.memref_slice %arg9[%dma_wait3A, %dma_wait3A_46, %dma_wait3A_47] : memref<2x128x64xf32, #tpu.memory_space<vmem>> -> memref<1x128x64xf32, #tpu.memory_space<vmem>>
    %dma_wait3A_49 = tpu.memref_squeeze %dma_wait3A_48 : memref<1x128x64xf32, #tpu.memory_space<vmem>> -> memref<128x64xf32, #tpu.memory_space<vmem>>
    %dma_wait3A_50 = arith.constant 0 : i32
    %dma_wait3A_51 = tpu.memref_slice %arg8[%dma_wait3A_45, %dma_wait3A_50] : memref<80x128xi32, #tpu.memory_space<vmem>> -> memref<1x128xi32, #tpu.memory_space<vmem>>
    %dma_wait3A_52 = tpu.memref_squeeze %dma_wait3A_51 : memref<1x128xi32, #tpu.memory_space<vmem>> -> memref<128xi32, #tpu.memory_space<vmem>>
    %dma_wait3A_53 = arith.constant 0 : i32
    %dma_wait3A_54 = arith.constant 0 : i32
    %dma_wait3A_55 = tpu.memref_slice %arg11[%dma_wait3A_53, %dma_wait3A_54] : memref<10112x64xf32, #tpu.memory_space<vmem_shared>> -> memref<10112x64xf32, #tpu.memory_space<vmem_shared>>
    tpu.wait_indirect_dma semaphore(%arg14 : memref<!tpu.dma_semaphore, #tpu.memory_space<semaphore_mem>>) src(%dma_wait3A_49 : memref<128x64xf32, #tpu.memory_space<vmem>>) dst(%dma_wait3A_55 : memref<10112x64xf32, #tpu.memory_space<vmem_shared>>)
    %dma_wait3A_56 = arith.constant 1 : i32
    %dma_wait3A_57 = arith.constant 0 : i32
    %dma_wait3A_58 = arith.constant 0 : i32
    %dma_wait3A_59 = arith.constant 0 : i32
    %dma_wait3A_60 = tpu.memref_slice %arg9[%dma_wait3A_56, %dma_wait3A_58, %dma_wait3A_59] : memref<2x128x64xf32, #tpu.memory_space<vmem>> -> memref<1x128x64xf32, #tpu.memory_space<vmem>>
    %dma_wait3A_61 = tpu.memref_squeeze %dma_wait3A_60 : memref<1x128x64xf32, #tpu.memory_space<vmem>> -> memref<128x64xf32, #tpu.memory_space<vmem>>
    %dma_wait3A_62 = arith.constant 0 : i32
    %dma_wait3A_63 = tpu.memref_slice %arg8[%dma_wait3A_57, %dma_wait3A_62] : memref<80x128xi32, #tpu.memory_space<vmem>> -> memref<1x128xi32, #tpu.memory_space<vmem>>
    %dma_wait3A_64 = tpu.memref_squeeze %dma_wait3A_63 : memref<1x128xi32, #tpu.memory_space<vmem>> -> memref<128xi32, #tpu.memory_space<vmem>>
    %dma_wait3A_65 = arith.constant 0 : i32
    %dma_wait3A_66 = arith.constant 0 : i32
    %dma_wait3A_67 = tpu.memref_slice %arg11[%dma_wait3A_65, %dma_wait3A_66] : memref<10112x64xf32, #tpu.memory_space<vmem_shared>> -> memref<10112x64xf32, #tpu.memory_space<vmem_shared>>
    tpu.wait_indirect_dma semaphore(%arg15 : memref<!tpu.dma_semaphore, #tpu.memory_space<semaphore_mem>>) src(%dma_wait3A_61 : memref<128x64xf32, #tpu.memory_space<vmem>>) dst(%dma_wait3A_67 : memref<10112x64xf32, #tpu.memory_space<vmem_shared>>)
    %barrier3A_68 = arith.constant 0 : index
    tpu.barrier barrier_id(%barrier3A_68)
    %mul3A_69 = arith.constant 632 : i32
    %mul3A_70 = arith.muli %arg1, %mul3A_69 : i32
    %mul3A_71 = arith.constant 632 : i32
    %mul3A_72 = arith.muli %arg1, %mul3A_71 : i32
    %run_scoped3A_73 = arith.constant 0 : i32
    "tpu.region"() ({
      %run_scoped3A_150 = tpu.sem_alloc : memref<!tpu.dma_semaphore, #tpu.memory_space<semaphore_mem>>
      %dma_start3A_151 = arith.constant 0 : i32
      %dma_start3A_152 = tpu.memref_slice %arg6[%run_scoped3A_73, %arg0, %mul3A_72, %dma_start3A_151] : memref<2x2x10112x64xf32, #tpu.memory_space<hbm>> -> memref<1x1x632x64xf32, #tpu.memory_space<hbm>>
      %dma_start3A_153 = tpu.memref_squeeze %dma_start3A_152 : memref<1x1x632x64xf32, #tpu.memory_space<hbm>> -> memref<632x64xf32, #tpu.memory_space<hbm>>
      %dma_start3A_154 = arith.constant 0 : i32
      %dma_start3A_155 = tpu.memref_slice %arg11[%mul3A_70, %dma_start3A_154] : memref<10112x64xf32, #tpu.memory_space<vmem_shared>> -> memref<632x64xf32, #tpu.memory_space<vmem_shared>>
      tpu.enqueue_dma source(%dma_start3A_155 : memref<632x64xf32, #tpu.memory_space<vmem_shared>>) target(%dma_start3A_153 : memref<632x64xf32, #tpu.memory_space<hbm>>) target_semaphore(%run_scoped3A_150 : memref<!tpu.dma_semaphore, #tpu.memory_space<semaphore_mem>>)
      %dma_wait3A_156 = arith.constant 0 : i32
      %dma_wait3A_157 = tpu.memref_slice %arg6[%run_scoped3A_73, %arg0, %mul3A_72, %dma_wait3A_156] : memref<2x2x10112x64xf32, #tpu.memory_space<hbm>> -> memref<1x1x632x64xf32, #tpu.memory_space<hbm>>
      %dma_wait3A_158 = tpu.memref_squeeze %dma_wait3A_157 : memref<1x1x632x64xf32, #tpu.memory_space<hbm>> -> memref<632x64xf32, #tpu.memory_space<hbm>>
      %dma_wait3A_159 = arith.constant 0 : i32
      %dma_wait3A_160 = tpu.memref_slice %arg11[%mul3A_70, %dma_wait3A_159] : memref<10112x64xf32, #tpu.memory_space<vmem_shared>> -> memref<632x64xf32, #tpu.memory_space<vmem_shared>>
      tpu.wait_dma2 semaphore(%run_scoped3A_150 : memref<!tpu.dma_semaphore, #tpu.memory_space<semaphore_mem>>) src(%dma_wait3A_160 : memref<632x64xf32, #tpu.memory_space<vmem_shared>>) dst(%dma_wait3A_158 : memref<632x64xf32, #tpu.memory_space<hbm>>)
      tpu.yield
    }) : () -> ()
    %barrier3A_74 = arith.constant 0 : index
    tpu.barrier barrier_id(%barrier3A_74)
    %mul3A_75 = arith.constant 632 : i32
    %mul3A_76 = arith.muli %arg1, %mul3A_75 : i32
    %mul3A_77 = arith.constant 632 : i32
    %mul3A_78 = arith.muli %arg1, %mul3A_77 : i32
    "tpu.region"() ({
      %run_scoped3A_150 = tpu.sem_alloc : memref<!tpu.dma_semaphore, #tpu.memory_space<semaphore_mem>>
      %dma_start3A_151 = arith.constant 0 : i32
      %dma_start3A_152 = tpu.memref_slice %arg10[%mul3A_78, %dma_start3A_151] : memref<10112x64xf32, #tpu.memory_space<vmem_shared>> -> memref<632x64xf32, #tpu.memory_space<vmem_shared>>
      %dma_start3A_153 = arith.constant 0 : i32
      %dma_start3A_154 = tpu.memref_slice %arg3[%mul3A_76, %dma_start3A_153] : memref<10112x64xf32, #tpu.memory_space<hbm>> -> memref<632x64xf32, #tpu.memory_space<hbm>>
      tpu.enqueue_dma source(%dma_start3A_154 : memref<632x64xf32, #tpu.memory_space<hbm>>) target(%dma_start3A_152 : memref<632x64xf32, #tpu.memory_space<vmem_shared>>) target_semaphore(%run_scoped3A_150 : memref<!tpu.dma_semaphore, #tpu.memory_space<semaphore_mem>>)
      %dma_wait3A_155 = arith.constant 0 : i32
      %dma_wait3A_156 = tpu.memref_slice %arg10[%mul3A_78, %dma_wait3A_155] : memref<10112x64xf32, #tpu.memory_space<vmem_shared>> -> memref<632x64xf32, #tpu.memory_space<vmem_shared>>
      %dma_wait3A_157 = arith.constant 0 : i32
      %dma_wait3A_158 = tpu.memref_slice %arg3[%mul3A_76, %dma_wait3A_157] : memref<10112x64xf32, #tpu.memory_space<hbm>> -> memref<632x64xf32, #tpu.memory_space<hbm>>
      tpu.wait_dma2 semaphore(%run_scoped3A_150 : memref<!tpu.dma_semaphore, #tpu.memory_space<semaphore_mem>>) src(%dma_wait3A_158 : memref<632x64xf32, #tpu.memory_space<hbm>>) dst(%dma_wait3A_156 : memref<632x64xf32, #tpu.memory_space<vmem_shared>>)
      tpu.yield
    }) : () -> ()
    %eq3A_79 = arith.constant 0 : i32
    %eq3A_80 = arith.cmpi eq, %arg0, %eq3A_79 : i32
    %convert_element_type3A_81 = arith.extui %eq3A_80 : i1 to i32
    %cond3A_82 = arith.constant 0 : i32
    %cond3A_83 = arith.cmpi ne, %convert_element_type3A_81, %cond3A_82 : i32
    scf.if %cond3A_83 {
      %mul3A_150 = arith.constant 632 : i32
      %mul3A_151 = arith.muli %arg1, %mul3A_150 : i32
      %mul3A_152 = arith.constant 632 : i32
      %mul3A_153 = arith.muli %arg1, %mul3A_152 : i32
      "tpu.region"() ({
        %run_scoped3A_154 = tpu.sem_alloc : memref<!tpu.dma_semaphore, #tpu.memory_space<semaphore_mem>>
        %dma_start3A_155 = arith.constant 0 : i32
        %dma_start3A_156 = tpu.memref_slice %arg11[%mul3A_153, %dma_start3A_155] : memref<10112x64xf32, #tpu.memory_space<vmem_shared>> -> memref<632x64xf32, #tpu.memory_space<vmem_shared>>
        %dma_start3A_157 = arith.constant 0 : i32
        %dma_start3A_158 = tpu.memref_slice %arg3[%mul3A_151, %dma_start3A_157] : memref<10112x64xf32, #tpu.memory_space<hbm>> -> memref<632x64xf32, #tpu.memory_space<hbm>>
        tpu.enqueue_dma source(%dma_start3A_158 : memref<632x64xf32, #tpu.memory_space<hbm>>) target(%dma_start3A_156 : memref<632x64xf32, #tpu.memory_space<vmem_shared>>) target_semaphore(%run_scoped3A_154 : memref<!tpu.dma_semaphore, #tpu.memory_space<semaphore_mem>>)
        %dma_wait3A_159 = arith.constant 0 : i32
        %dma_wait3A_160 = tpu.memref_slice %arg11[%mul3A_153, %dma_wait3A_159] : memref<10112x64xf32, #tpu.memory_space<vmem_shared>> -> memref<632x64xf32, #tpu.memory_space<vmem_shared>>
        %dma_wait3A_161 = arith.constant 0 : i32
        %dma_wait3A_162 = tpu.memref_slice %arg3[%mul3A_151, %dma_wait3A_161] : memref<10112x64xf32, #tpu.memory_space<hbm>> -> memref<632x64xf32, #tpu.memory_space<hbm>>
        tpu.wait_dma2 semaphore(%run_scoped3A_154 : memref<!tpu.dma_semaphore, #tpu.memory_space<semaphore_mem>>) src(%dma_wait3A_162 : memref<632x64xf32, #tpu.memory_space<hbm>>) dst(%dma_wait3A_160 : memref<632x64xf32, #tpu.memory_space<vmem_shared>>)
        tpu.yield
      }) : () -> ()
    } else {
    }
    %eq3A_84 = arith.constant 1 : i32
    %eq3A_85 = arith.cmpi eq, %arg0, %eq3A_84 : i32
    %convert_element_type3A_86 = arith.extui %eq3A_85 : i1 to i32
    %cond3A_87 = arith.constant 0 : i32
    %cond3A_88 = arith.cmpi ne, %convert_element_type3A_86, %cond3A_87 : i32
    scf.if %cond3A_88 {
      %mul3A_150 = arith.constant 632 : i32
      %mul3A_151 = arith.muli %arg1, %mul3A_150 : i32
      %mul3A_152 = arith.constant 632 : i32
      %mul3A_153 = arith.muli %arg1, %mul3A_152 : i32
      "tpu.region"() ({
        %run_scoped3A_154 = tpu.sem_alloc : memref<!tpu.dma_semaphore, #tpu.memory_space<semaphore_mem>>
        %dma_start3A_155 = arith.constant 0 : i32
        %dma_start3A_156 = tpu.memref_slice %arg11[%mul3A_153, %dma_start3A_155] : memref<10112x64xf32, #tpu.memory_space<vmem_shared>> -> memref<632x64xf32, #tpu.memory_space<vmem_shared>>
        %dma_start3A_157 = arith.constant 0 : i32
        %dma_start3A_158 = tpu.memref_slice %arg5[%mul3A_151, %dma_start3A_157] : memref<10112x64xf32, #tpu.memory_space<hbm>> -> memref<632x64xf32, #tpu.memory_space<hbm>>
        tpu.enqueue_dma source(%dma_start3A_158 : memref<632x64xf32, #tpu.memory_space<hbm>>) target(%dma_start3A_156 : memref<632x64xf32, #tpu.memory_space<vmem_shared>>) target_semaphore(%run_scoped3A_154 : memref<!tpu.dma_semaphore, #tpu.memory_space<semaphore_mem>>)
        %dma_wait3A_159 = arith.constant 0 : i32
        %dma_wait3A_160 = tpu.memref_slice %arg11[%mul3A_153, %dma_wait3A_159] : memref<10112x64xf32, #tpu.memory_space<vmem_shared>> -> memref<632x64xf32, #tpu.memory_space<vmem_shared>>
        %dma_wait3A_161 = arith.constant 0 : i32
        %dma_wait3A_162 = tpu.memref_slice %arg5[%mul3A_151, %dma_wait3A_161] : memref<10112x64xf32, #tpu.memory_space<hbm>> -> memref<632x64xf32, #tpu.memory_space<hbm>>
        tpu.wait_dma2 semaphore(%run_scoped3A_154 : memref<!tpu.dma_semaphore, #tpu.memory_space<semaphore_mem>>) src(%dma_wait3A_162 : memref<632x64xf32, #tpu.memory_space<hbm>>) dst(%dma_wait3A_160 : memref<632x64xf32, #tpu.memory_space<vmem_shared>>)
        tpu.yield
      }) : () -> ()
    } else {
    }
    %barrier3A_89 = arith.constant 0 : index
    tpu.barrier barrier_id(%barrier3A_89)
    %dma_start3A_90 = arith.constant 0 : i32
    %dma_start3A_91 = arith.constant 0 : i32
    %dma_start3A_92 = arith.constant 0 : i32
    %dma_start3A_93 = arith.constant 0 : i32
    %dma_start3A_94 = tpu.memref_slice %arg9[%dma_start3A_91, %dma_start3A_92, %dma_start3A_93] : memref<2x128x64xf32, #tpu.memory_space<vmem>> -> memref<1x128x64xf32, #tpu.memory_space<vmem>>
    %dma_start3A_95 = tpu.memref_squeeze %dma_start3A_94 : memref<1x128x64xf32, #tpu.memory_space<vmem>> -> memref<128x64xf32, #tpu.memory_space<vmem>>
    %dma_start3A_96 = arith.constant 0 : i32
    %dma_start3A_97 = tpu.memref_slice %arg7[%dma_start3A_90, %dma_start3A_96] : memref<80x128xi32, #tpu.memory_space<vmem>> -> memref<1x128xi32, #tpu.memory_space<vmem>>
    %dma_start3A_98 = tpu.memref_squeeze %dma_start3A_97 : memref<1x128xi32, #tpu.memory_space<vmem>> -> memref<128xi32, #tpu.memory_space<vmem>>
    %dma_start3A_99 = arith.constant 0 : i32
    %dma_start3A_100 = arith.constant 0 : i32
    %dma_start3A_101 = tpu.memref_slice %arg10[%dma_start3A_99, %dma_start3A_100] : memref<10112x64xf32, #tpu.memory_space<vmem_shared>> -> memref<10112x64xf32, #tpu.memory_space<vmem_shared>>
    tpu.enqueue_indirect_dma source(%dma_start3A_101 : memref<10112x64xf32, #tpu.memory_space<vmem_shared>>) target(%dma_start3A_95 : memref<128x64xf32, #tpu.memory_space<vmem>>) offsets(%dma_start3A_98 : memref<128xi32, #tpu.memory_space<vmem>>) semaphore(%arg12 : memref<!tpu.dma_semaphore, #tpu.memory_space<semaphore_mem>>)
    %dma_start3A_102 = arith.constant 1 : i32
    %dma_start3A_103 = arith.constant 1 : i32
    %dma_start3A_104 = arith.constant 0 : i32
    %dma_start3A_105 = arith.constant 0 : i32
    %dma_start3A_106 = tpu.memref_slice %arg9[%dma_start3A_103, %dma_start3A_104, %dma_start3A_105] : memref<2x128x64xf32, #tpu.memory_space<vmem>> -> memref<1x128x64xf32, #tpu.memory_space<vmem>>
    %dma_start3A_107 = tpu.memref_squeeze %dma_start3A_106 : memref<1x128x64xf32, #tpu.memory_space<vmem>> -> memref<128x64xf32, #tpu.memory_space<vmem>>
    %dma_start3A_108 = arith.constant 0 : i32
    %dma_start3A_109 = tpu.memref_slice %arg7[%dma_start3A_102, %dma_start3A_108] : memref<80x128xi32, #tpu.memory_space<vmem>> -> memref<1x128xi32, #tpu.memory_space<vmem>>
    %dma_start3A_110 = tpu.memref_squeeze %dma_start3A_109 : memref<1x128xi32, #tpu.memory_space<vmem>> -> memref<128xi32, #tpu.memory_space<vmem>>
    %dma_start3A_111 = arith.constant 0 : i32
    %dma_start3A_112 = arith.constant 0 : i32
    %dma_start3A_113 = tpu.memref_slice %arg10[%dma_start3A_111, %dma_start3A_112] : memref<10112x64xf32, #tpu.memory_space<vmem_shared>> -> memref<10112x64xf32, #tpu.memory_space<vmem_shared>>
    tpu.enqueue_indirect_dma source(%dma_start3A_113 : memref<10112x64xf32, #tpu.memory_space<vmem_shared>>) target(%dma_start3A_107 : memref<128x64xf32, #tpu.memory_space<vmem>>) offsets(%dma_start3A_110 : memref<128xi32, #tpu.memory_space<vmem>>) semaphore(%arg13 : memref<!tpu.dma_semaphore, #tpu.memory_space<semaphore_mem>>)
    %scan3A_114 = arith.constant 0 : i32
    %scan3A_115 = arith.constant 0 : i32
    %scan3A_116 = arith.constant 40 : i32
    %scan3A_117 = arith.addi %scan3A_115, %scan3A_116 : i32
    %scan3A_118 = arith.constant 1 : i32
    scf.for %scan3A_150 = %scan3A_115 to %scan3A_117 step %scan3A_118  : i32 {
      %mul3A_151 = arith.constant 2 : i32
      %mul3A_152 = arith.muli %scan3A_150, %mul3A_151 : i32
      %add3A_153 = arith.constant 0 : i32
      %add3A_154 = arith.addi %mul3A_152, %add3A_153 : i32
      %dma_wait3A_155 = arith.constant 0 : i32
      %dma_wait3A_156 = arith.constant 0 : i32
      %dma_wait3A_157 = arith.constant 0 : i32
      %dma_wait3A_158 = arith.constant 0 : i32
      %dma_wait3A_159 = tpu.memref_slice %arg9[%dma_wait3A_156, %dma_wait3A_157, %dma_wait3A_158] : memref<2x128x64xf32, #tpu.memory_space<vmem>> -> memref<1x128x64xf32, #tpu.memory_space<vmem>>
      %dma_wait3A_160 = tpu.memref_squeeze %dma_wait3A_159 : memref<1x128x64xf32, #tpu.memory_space<vmem>> -> memref<128x64xf32, #tpu.memory_space<vmem>>
      %dma_wait3A_161 = arith.constant 0 : i32
      %dma_wait3A_162 = tpu.memref_slice %arg7[%dma_wait3A_155, %dma_wait3A_161] : memref<80x128xi32, #tpu.memory_space<vmem>> -> memref<1x128xi32, #tpu.memory_space<vmem>>
      %dma_wait3A_163 = tpu.memref_squeeze %dma_wait3A_162 : memref<1x128xi32, #tpu.memory_space<vmem>> -> memref<128xi32, #tpu.memory_space<vmem>>
      %dma_wait3A_164 = arith.constant 0 : i32
      %dma_wait3A_165 = arith.constant 0 : i32
      %dma_wait3A_166 = tpu.memref_slice %arg10[%dma_wait3A_164, %dma_wait3A_165] : memref<10112x64xf32, #tpu.memory_space<vmem_shared>> -> memref<10112x64xf32, #tpu.memory_space<vmem_shared>>
      tpu.wait_indirect_dma semaphore(%arg12 : memref<!tpu.dma_semaphore, #tpu.memory_space<semaphore_mem>>) src(%dma_wait3A_166 : memref<10112x64xf32, #tpu.memory_space<vmem_shared>>) dst(%dma_wait3A_160 : memref<128x64xf32, #tpu.memory_space<vmem>>)
      %dma_start3A_167 = arith.constant 0 : i32
      %dma_start3A_168 = arith.constant 0 : i32
      %dma_start3A_169 = arith.constant 0 : i32
      %dma_start3A_170 = tpu.memref_slice %arg9[%dma_start3A_167, %dma_start3A_168, %dma_start3A_169] : memref<2x128x64xf32, #tpu.memory_space<vmem>> -> memref<1x128x64xf32, #tpu.memory_space<vmem>>
      %dma_start3A_171 = tpu.memref_squeeze %dma_start3A_170 : memref<1x128x64xf32, #tpu.memory_space<vmem>> -> memref<128x64xf32, #tpu.memory_space<vmem>>
      %dma_start3A_172 = arith.constant 0 : i32
      %dma_start3A_173 = tpu.memref_slice %arg8[%add3A_154, %dma_start3A_172] : memref<80x128xi32, #tpu.memory_space<vmem>> -> memref<1x128xi32, #tpu.memory_space<vmem>>
      %dma_start3A_174 = tpu.memref_squeeze %dma_start3A_173 : memref<1x128xi32, #tpu.memory_space<vmem>> -> memref<128xi32, #tpu.memory_space<vmem>>
      %dma_start3A_175 = arith.constant 0 : i32
      %dma_start3A_176 = arith.constant 0 : i32
      %dma_start3A_177 = tpu.memref_slice %arg11[%dma_start3A_175, %dma_start3A_176] : memref<10112x64xf32, #tpu.memory_space<vmem_shared>> -> memref<10112x64xf32, #tpu.memory_space<vmem_shared>>
      tpu.enqueue_indirect_dma source(%dma_start3A_171 : memref<128x64xf32, #tpu.memory_space<vmem>>) target(%dma_start3A_177 : memref<10112x64xf32, #tpu.memory_space<vmem_shared>>) offsets(%dma_start3A_174 : memref<128xi32, #tpu.memory_space<vmem>>) semaphore(%arg14 : memref<!tpu.dma_semaphore, #tpu.memory_space<semaphore_mem>>) {add = true}
      %add3A_178 = arith.constant 1 : i32
      %add3A_179 = arith.addi %mul3A_152, %add3A_178 : i32
      %dma_wait3A_180 = arith.constant 0 : i32
      %dma_wait3A_181 = arith.constant 1 : i32
      %dma_wait3A_182 = arith.constant 0 : i32
      %dma_wait3A_183 = arith.constant 0 : i32
      %dma_wait3A_184 = tpu.memref_slice %arg9[%dma_wait3A_181, %dma_wait3A_182, %dma_wait3A_183] : memref<2x128x64xf32, #tpu.memory_space<vmem>> -> memref<1x128x64xf32, #tpu.memory_space<vmem>>
      %dma_wait3A_185 = tpu.memref_squeeze %dma_wait3A_184 : memref<1x128x64xf32, #tpu.memory_space<vmem>> -> memref<128x64xf32, #tpu.memory_space<vmem>>
      %dma_wait3A_186 = arith.constant 0 : i32
      %dma_wait3A_187 = tpu.memref_slice %arg7[%dma_wait3A_180, %dma_wait3A_186] : memref<80x128xi32, #tpu.memory_space<vmem>> -> memref<1x128xi32, #tpu.memory_space<vmem>>
      %dma_wait3A_188 = tpu.memref_squeeze %dma_wait3A_187 : memref<1x128xi32, #tpu.memory_space<vmem>> -> memref<128xi32, #tpu.memory_space<vmem>>
      %dma_wait3A_189 = arith.constant 0 : i32
      %dma_wait3A_190 = arith.constant 0 : i32
      %dma_wait3A_191 = tpu.memref_slice %arg10[%dma_wait3A_189, %dma_wait3A_190] : memref<10112x64xf32, #tpu.memory_space<vmem_shared>> -> memref<10112x64xf32, #tpu.memory_space<vmem_shared>>
      tpu.wait_indirect_dma semaphore(%arg13 : memref<!tpu.dma_semaphore, #tpu.memory_space<semaphore_mem>>) src(%dma_wait3A_191 : memref<10112x64xf32, #tpu.memory_space<vmem_shared>>) dst(%dma_wait3A_185 : memref<128x64xf32, #tpu.memory_space<vmem>>)
      %dma_start3A_192 = arith.constant 1 : i32
      %dma_start3A_193 = arith.constant 0 : i32
      %dma_start3A_194 = arith.constant 0 : i32
      %dma_start3A_195 = tpu.memref_slice %arg9[%dma_start3A_192, %dma_start3A_193, %dma_start3A_194] : memref<2x128x64xf32, #tpu.memory_space<vmem>> -> memref<1x128x64xf32, #tpu.memory_space<vmem>>
      %dma_start3A_196 = tpu.memref_squeeze %dma_start3A_195 : memref<1x128x64xf32, #tpu.memory_space<vmem>> -> memref<128x64xf32, #tpu.memory_space<vmem>>
      %dma_start3A_197 = arith.constant 0 : i32
      %dma_start3A_198 = tpu.memref_slice %arg8[%add3A_179, %dma_start3A_197] : memref<80x128xi32, #tpu.memory_space<vmem>> -> memref<1x128xi32, #tpu.memory_space<vmem>>
      %dma_start3A_199 = tpu.memref_squeeze %dma_start3A_198 : memref<1x128xi32, #tpu.memory_space<vmem>> -> memref<128xi32, #tpu.memory_space<vmem>>
      %dma_start3A_200 = arith.constant 0 : i32
      %dma_start3A_201 = arith.constant 0 : i32
      %dma_start3A_202 = tpu.memref_slice %arg11[%dma_start3A_200, %dma_start3A_201] : memref<10112x64xf32, #tpu.memory_space<vmem_shared>> -> memref<10112x64xf32, #tpu.memory_space<vmem_shared>>
      tpu.enqueue_indirect_dma source(%dma_start3A_196 : memref<128x64xf32, #tpu.memory_space<vmem>>) target(%dma_start3A_202 : memref<10112x64xf32, #tpu.memory_space<vmem_shared>>) offsets(%dma_start3A_199 : memref<128xi32, #tpu.memory_space<vmem>>) semaphore(%arg15 : memref<!tpu.dma_semaphore, #tpu.memory_space<semaphore_mem>>) {add = true}
      %add3A_203 = arith.constant 2 : i32
      %add3A_204 = arith.addi %mul3A_152, %add3A_203 : i32
      %add3A_205 = arith.constant 0 : i32
      %add3A_206 = arith.addi %add3A_204, %add3A_205 : i32
      %lt3A = arith.constant 80 : i32
      %lt3A_207 = arith.cmpi slt, %add3A_206, %lt3A : i32
      %convert_element_type3A_208 = arith.extui %lt3A_207 : i1 to i32
      %cond3A_209 = arith.constant 0 : i32
      %cond3A_210 = arith.cmpi ne, %convert_element_type3A_208, %cond3A_209 : i32
      scf.if %cond3A_210 {
        %dma_wait3A_220 = arith.constant 0 : i32
        %dma_wait3A_221 = arith.constant 0 : i32
        %dma_wait3A_222 = arith.constant 0 : i32
        %dma_wait3A_223 = arith.constant 0 : i32
        %dma_wait3A_224 = tpu.memref_slice %arg9[%dma_wait3A_220, %dma_wait3A_222, %dma_wait3A_223] : memref<2x128x64xf32, #tpu.memory_space<vmem>> -> memref<1x128x64xf32, #tpu.memory_space<vmem>>
        %dma_wait3A_225 = tpu.memref_squeeze %dma_wait3A_224 : memref<1x128x64xf32, #tpu.memory_space<vmem>> -> memref<128x64xf32, #tpu.memory_space<vmem>>
        %dma_wait3A_226 = arith.constant 0 : i32
        %dma_wait3A_227 = tpu.memref_slice %arg8[%dma_wait3A_221, %dma_wait3A_226] : memref<80x128xi32, #tpu.memory_space<vmem>> -> memref<1x128xi32, #tpu.memory_space<vmem>>
        %dma_wait3A_228 = tpu.memref_squeeze %dma_wait3A_227 : memref<1x128xi32, #tpu.memory_space<vmem>> -> memref<128xi32, #tpu.memory_space<vmem>>
        %dma_wait3A_229 = arith.constant 0 : i32
        %dma_wait3A_230 = arith.constant 0 : i32
        %dma_wait3A_231 = tpu.memref_slice %arg11[%dma_wait3A_229, %dma_wait3A_230] : memref<10112x64xf32, #tpu.memory_space<vmem_shared>> -> memref<10112x64xf32, #tpu.memory_space<vmem_shared>>
        tpu.wait_indirect_dma semaphore(%arg14 : memref<!tpu.dma_semaphore, #tpu.memory_space<semaphore_mem>>) src(%dma_wait3A_225 : memref<128x64xf32, #tpu.memory_space<vmem>>) dst(%dma_wait3A_231 : memref<10112x64xf32, #tpu.memory_space<vmem_shared>>)
        %dma_start3A_232 = arith.constant 0 : i32
        %dma_start3A_233 = arith.constant 0 : i32
        %dma_start3A_234 = arith.constant 0 : i32
        %dma_start3A_235 = tpu.memref_slice %arg9[%dma_start3A_232, %dma_start3A_233, %dma_start3A_234] : memref<2x128x64xf32, #tpu.memory_space<vmem>> -> memref<1x128x64xf32, #tpu.memory_space<vmem>>
        %dma_start3A_236 = tpu.memref_squeeze %dma_start3A_235 : memref<1x128x64xf32, #tpu.memory_space<vmem>> -> memref<128x64xf32, #tpu.memory_space<vmem>>
        %dma_start3A_237 = arith.constant 0 : i32
        %dma_start3A_238 = tpu.memref_slice %arg7[%add3A_206, %dma_start3A_237] : memref<80x128xi32, #tpu.memory_space<vmem>> -> memref<1x128xi32, #tpu.memory_space<vmem>>
        %dma_start3A_239 = tpu.memref_squeeze %dma_start3A_238 : memref<1x128xi32, #tpu.memory_space<vmem>> -> memref<128xi32, #tpu.memory_space<vmem>>
        %dma_start3A_240 = arith.constant 0 : i32
        %dma_start3A_241 = arith.constant 0 : i32
        %dma_start3A_242 = tpu.memref_slice %arg10[%dma_start3A_240, %dma_start3A_241] : memref<10112x64xf32, #tpu.memory_space<vmem_shared>> -> memref<10112x64xf32, #tpu.memory_space<vmem_shared>>
        tpu.enqueue_indirect_dma source(%dma_start3A_242 : memref<10112x64xf32, #tpu.memory_space<vmem_shared>>) target(%dma_start3A_236 : memref<128x64xf32, #tpu.memory_space<vmem>>) offsets(%dma_start3A_239 : memref<128xi32, #tpu.memory_space<vmem>>) semaphore(%arg12 : memref<!tpu.dma_semaphore, #tpu.memory_space<semaphore_mem>>)
      } else {
      }
      %add3A_211 = arith.constant 2 : i32
      %add3A_212 = arith.addi %mul3A_152, %add3A_211 : i32
      %add3A_213 = arith.constant 1 : i32
      %add3A_214 = arith.addi %add3A_212, %add3A_213 : i32
      %lt3A_215 = arith.constant 80 : i32
      %lt3A_216 = arith.cmpi slt, %add3A_214, %lt3A_215 : i32
      %convert_element_type3A_217 = arith.extui %lt3A_216 : i1 to i32
      %cond3A_218 = arith.constant 0 : i32
      %cond3A_219 = arith.cmpi ne, %convert_element_type3A_217, %cond3A_218 : i32
      scf.if %cond3A_219 {
        %dma_wait3A_220 = arith.constant 1 : i32
        %dma_wait3A_221 = arith.constant 0 : i32
        %dma_wait3A_222 = arith.constant 0 : i32
        %dma_wait3A_223 = arith.constant 0 : i32
        %dma_wait3A_224 = tpu.memref_slice %arg9[%dma_wait3A_220, %dma_wait3A_222, %dma_wait3A_223] : memref<2x128x64xf32, #tpu.memory_space<vmem>> -> memref<1x128x64xf32, #tpu.memory_space<vmem>>
        %dma_wait3A_225 = tpu.memref_squeeze %dma_wait3A_224 : memref<1x128x64xf32, #tpu.memory_space<vmem>> -> memref<128x64xf32, #tpu.memory_space<vmem>>
        %dma_wait3A_226 = arith.constant 0 : i32
        %dma_wait3A_227 = tpu.memref_slice %arg8[%dma_wait3A_221, %dma_wait3A_226] : memref<80x128xi32, #tpu.memory_space<vmem>> -> memref<1x128xi32, #tpu.memory_space<vmem>>
        %dma_wait3A_228 = tpu.memref_squeeze %dma_wait3A_227 : memref<1x128xi32, #tpu.memory_space<vmem>> -> memref<128xi32, #tpu.memory_space<vmem>>
        %dma_wait3A_229 = arith.constant 0 : i32
        %dma_wait3A_230 = arith.constant 0 : i32
        %dma_wait3A_231 = tpu.memref_slice %arg11[%dma_wait3A_229, %dma_wait3A_230] : memref<10112x64xf32, #tpu.memory_space<vmem_shared>> -> memref<10112x64xf32, #tpu.memory_space<vmem_shared>>
        tpu.wait_indirect_dma semaphore(%arg15 : memref<!tpu.dma_semaphore, #tpu.memory_space<semaphore_mem>>) src(%dma_wait3A_225 : memref<128x64xf32, #tpu.memory_space<vmem>>) dst(%dma_wait3A_231 : memref<10112x64xf32, #tpu.memory_space<vmem_shared>>)
        %dma_start3A_232 = arith.constant 1 : i32
        %dma_start3A_233 = arith.constant 0 : i32
        %dma_start3A_234 = arith.constant 0 : i32
        %dma_start3A_235 = tpu.memref_slice %arg9[%dma_start3A_232, %dma_start3A_233, %dma_start3A_234] : memref<2x128x64xf32, #tpu.memory_space<vmem>> -> memref<1x128x64xf32, #tpu.memory_space<vmem>>
        %dma_start3A_236 = tpu.memref_squeeze %dma_start3A_235 : memref<1x128x64xf32, #tpu.memory_space<vmem>> -> memref<128x64xf32, #tpu.memory_space<vmem>>
        %dma_start3A_237 = arith.constant 0 : i32
        %dma_start3A_238 = tpu.memref_slice %arg7[%add3A_214, %dma_start3A_237] : memref<80x128xi32, #tpu.memory_space<vmem>> -> memref<1x128xi32, #tpu.memory_space<vmem>>
        %dma_start3A_239 = tpu.memref_squeeze %dma_start3A_238 : memref<1x128xi32, #tpu.memory_space<vmem>> -> memref<128xi32, #tpu.memory_space<vmem>>
        %dma_start3A_240 = arith.constant 0 : i32
        %dma_start3A_241 = arith.constant 0 : i32
        %dma_start3A_242 = tpu.memref_slice %arg10[%dma_start3A_240, %dma_start3A_241] : memref<10112x64xf32, #tpu.memory_space<vmem_shared>> -> memref<10112x64xf32, #tpu.memory_space<vmem_shared>>
        tpu.enqueue_indirect_dma source(%dma_start3A_242 : memref<10112x64xf32, #tpu.memory_space<vmem_shared>>) target(%dma_start3A_236 : memref<128x64xf32, #tpu.memory_space<vmem>>) offsets(%dma_start3A_239 : memref<128xi32, #tpu.memory_space<vmem>>) semaphore(%arg13 : memref<!tpu.dma_semaphore, #tpu.memory_space<semaphore_mem>>)
      } else {
      }
    }
    %scan3A_119 = arith.constant 40 : i32
    %dma_wait3A_120 = arith.constant 0 : i32
    %dma_wait3A_121 = arith.constant 0 : i32
    %dma_wait3A_122 = arith.constant 0 : i32
    %dma_wait3A_123 = arith.constant 0 : i32
    %dma_wait3A_124 = tpu.memref_slice %arg9[%dma_wait3A_120, %dma_wait3A_122, %dma_wait3A_123] : memref<2x128x64xf32, #tpu.memory_space<vmem>> -> memref<1x128x64xf32, #tpu.memory_space<vmem>>
    %dma_wait3A_125 = tpu.memref_squeeze %dma_wait3A_124 : memref<1x128x64xf32, #tpu.memory_space<vmem>> -> memref<128x64xf32, #tpu.memory_space<vmem>>
    %dma_wait3A_126 = arith.constant 0 : i32
    %dma_wait3A_127 = tpu.memref_slice %arg8[%dma_wait3A_121, %dma_wait3A_126] : memref<80x128xi32, #tpu.memory_space<vmem>> -> memref<1x128xi32, #tpu.memory_space<vmem>>
    %dma_wait3A_128 = tpu.memref_squeeze %dma_wait3A_127 : memref<1x128xi32, #tpu.memory_space<vmem>> -> memref<128xi32, #tpu.memory_space<vmem>>
    %dma_wait3A_129 = arith.constant 0 : i32
    %dma_wait3A_130 = arith.constant 0 : i32
    %dma_wait3A_131 = tpu.memref_slice %arg11[%dma_wait3A_129, %dma_wait3A_130] : memref<10112x64xf32, #tpu.memory_space<vmem_shared>> -> memref<10112x64xf32, #tpu.memory_space<vmem_shared>>
    tpu.wait_indirect_dma semaphore(%arg14 : memref<!tpu.dma_semaphore, #tpu.memory_space<semaphore_mem>>) src(%dma_wait3A_125 : memref<128x64xf32, #tpu.memory_space<vmem>>) dst(%dma_wait3A_131 : memref<10112x64xf32, #tpu.memory_space<vmem_shared>>)
    %dma_wait3A_132 = arith.constant 1 : i32
    %dma_wait3A_133 = arith.constant 0 : i32
    %dma_wait3A_134 = arith.constant 0 : i32
    %dma_wait3A_135 = arith.constant 0 : i32
    %dma_wait3A_136 = tpu.memref_slice %arg9[%dma_wait3A_132, %dma_wait3A_134, %dma_wait3A_135] : memref<2x128x64xf32, #tpu.memory_space<vmem>> -> memref<1x128x64xf32, #tpu.memory_space<vmem>>
    %dma_wait3A_137 = tpu.memref_squeeze %dma_wait3A_136 : memref<1x128x64xf32, #tpu.memory_space<vmem>> -> memref<128x64xf32, #tpu.memory_space<vmem>>
    %dma_wait3A_138 = arith.constant 0 : i32
    %dma_wait3A_139 = tpu.memref_slice %arg8[%dma_wait3A_133, %dma_wait3A_138] : memref<80x128xi32, #tpu.memory_space<vmem>> -> memref<1x128xi32, #tpu.memory_space<vmem>>
    %dma_wait3A_140 = tpu.memref_squeeze %dma_wait3A_139 : memref<1x128xi32, #tpu.memory_space<vmem>> -> memref<128xi32, #tpu.memory_space<vmem>>
    %dma_wait3A_141 = arith.constant 0 : i32
    %dma_wait3A_142 = arith.constant 0 : i32
    %dma_wait3A_143 = tpu.memref_slice %arg11[%dma_wait3A_141, %dma_wait3A_142] : memref<10112x64xf32, #tpu.memory_space<vmem_shared>> -> memref<10112x64xf32, #tpu.memory_space<vmem_shared>>
    tpu.wait_indirect_dma semaphore(%arg15 : memref<!tpu.dma_semaphore, #tpu.memory_space<semaphore_mem>>) src(%dma_wait3A_137 : memref<128x64xf32, #tpu.memory_space<vmem>>) dst(%dma_wait3A_143 : memref<10112x64xf32, #tpu.memory_space<vmem_shared>>)
    %barrier3A_144 = arith.constant 0 : index
    tpu.barrier barrier_id(%barrier3A_144)
    %mul3A_145 = arith.constant 632 : i32
    %mul3A_146 = arith.muli %arg1, %mul3A_145 : i32
    %mul3A_147 = arith.constant 632 : i32
    %mul3A_148 = arith.muli %arg1, %mul3A_147 : i32
    %run_scoped3A_149 = arith.constant 1 : i32
    "tpu.region"() ({
      %run_scoped3A_150 = tpu.sem_alloc : memref<!tpu.dma_semaphore, #tpu.memory_space<semaphore_mem>>
      %dma_start3A_151 = arith.constant 0 : i32
      %dma_start3A_152 = tpu.memref_slice %arg6[%run_scoped3A_149, %arg0, %mul3A_148, %dma_start3A_151] : memref<2x2x10112x64xf32, #tpu.memory_space<hbm>> -> memref<1x1x632x64xf32, #tpu.memory_space<hbm>>
      %dma_start3A_153 = tpu.memref_squeeze %dma_start3A_152 : memref<1x1x632x64xf32, #tpu.memory_space<hbm>> -> memref<632x64xf32, #tpu.memory_space<hbm>>
      %dma_start3A_154 = arith.constant 0 : i32
      %dma_start3A_155 = tpu.memref_slice %arg11[%mul3A_146, %dma_start3A_154] : memref<10112x64xf32, #tpu.memory_space<vmem_shared>> -> memref<632x64xf32, #tpu.memory_space<vmem_shared>>
      tpu.enqueue_dma source(%dma_start3A_155 : memref<632x64xf32, #tpu.memory_space<vmem_shared>>) target(%dma_start3A_153 : memref<632x64xf32, #tpu.memory_space<hbm>>) target_semaphore(%run_scoped3A_150 : memref<!tpu.dma_semaphore, #tpu.memory_space<semaphore_mem>>)
      %dma_wait3A_156 = arith.constant 0 : i32
      %dma_wait3A_157 = tpu.memref_slice %arg6[%run_scoped3A_149, %arg0, %mul3A_148, %dma_wait3A_156] : memref<2x2x10112x64xf32, #tpu.memory_space<hbm>> -> memref<1x1x632x64xf32, #tpu.memory_space<hbm>>
      %dma_wait3A_158 = tpu.memref_squeeze %dma_wait3A_157 : memref<1x1x632x64xf32, #tpu.memory_space<hbm>> -> memref<632x64xf32, #tpu.memory_space<hbm>>
      %dma_wait3A_159 = arith.constant 0 : i32
      %dma_wait3A_160 = tpu.memref_slice %arg11[%mul3A_146, %dma_wait3A_159] : memref<10112x64xf32, #tpu.memory_space<vmem_shared>> -> memref<632x64xf32, #tpu.memory_space<vmem_shared>>
      tpu.wait_dma2 semaphore(%run_scoped3A_150 : memref<!tpu.dma_semaphore, #tpu.memory_space<semaphore_mem>>) src(%dma_wait3A_160 : memref<632x64xf32, #tpu.memory_space<vmem_shared>>) dst(%dma_wait3A_158 : memref<632x64xf32, #tpu.memory_space<hbm>>)
      tpu.yield
    }) : () -> ()
    return
  }
}

#map = affine_map<(d0, d1) -> (0, 0, 0)>
#map1 = affine_map<(d0, d1) -> (0)>
#map2 = affine_map<(d0, d1) -> (0, 0)>
module attributes {stable_mosaic.version = 14 : i64} {
  func.func @_deg_kernel(%arg0: i32, %arg1: i32, %arg2: memref<2x2560x128xi32, #tpu.memory_space<hbm>>, %arg3: memref<16384xf32, #tpu.memory_space<hbm>>, %arg4: memref<2x16384xf32, #tpu.memory_space<hbm>>, %arg5: memref<80x128xi32, #tpu.memory_space<vmem>>, %arg6: memref<128xf32, #tpu.memory_space<vmem>>, %arg7: memref<16384xf32, #tpu.memory_space<vmem_shared>>, %arg8: memref<!tpu.dma_semaphore, #tpu.memory_space<semaphore_mem>>, %arg9: memref<!tpu.dma_semaphore, #tpu.memory_space<semaphore_mem>>, %arg10: memref<!tpu.dma_semaphore, #tpu.memory_space<semaphore_mem>>, %arg11: memref<!tpu.dma_semaphore, #tpu.memory_space<semaphore_mem>>) attributes {dimension_semantics = [#tpu.dimension_semantics<core_parallel>, #tpu.dimension_semantics<subcore_parallel>], iteration_bounds = array<i64: 2, 16>, scalar_prefetch = 0 : i64, scratch_operands = 7 : i64, tpu.core_type = #tpu.core_type<sc_vector_subcore>, window_params = [{transform_indices = #map}, {transform_indices = #map1}, {transform_indices = #map2}]} {
    %mul3A = arith.constant 16 : i32
    %mul3A_0 = arith.muli %arg0, %mul3A : i32
    %add3A = arith.addi %mul3A_0, %arg1 : i32
    %mul3A_1 = arith.constant 80 : i32
    %mul3A_2 = arith.muli %add3A, %mul3A_1 : i32
    %run_scoped3A = arith.constant 1 : i32
    "tpu.region"() ({
      %run_scoped3A_84 = tpu.sem_alloc : memref<!tpu.dma_semaphore, #tpu.memory_space<semaphore_mem>>
      %dma_start3A_85 = arith.constant 0 : i32
      %dma_start3A_86 = tpu.memref_slice %arg2[%run_scoped3A, %mul3A_2, %dma_start3A_85] : memref<2x2560x128xi32, #tpu.memory_space<hbm>> -> memref<1x80x128xi32, #tpu.memory_space<hbm>>
      %dma_start3A_87 = tpu.memref_squeeze %dma_start3A_86 : memref<1x80x128xi32, #tpu.memory_space<hbm>> -> memref<80x128xi32, #tpu.memory_space<hbm>>
      %dma_start3A_88 = arith.constant 0 : i32
      %dma_start3A_89 = tpu.memref_slice %arg2[%run_scoped3A, %mul3A_2, %dma_start3A_88] : memref<2x2560x128xi32, #tpu.memory_space<hbm>> -> memref<1x80x128xi32, #tpu.memory_space<hbm>>
      %dma_start3A_90 = tpu.memref_squeeze %dma_start3A_89 : memref<1x80x128xi32, #tpu.memory_space<hbm>> -> memref<80x128xi32, #tpu.memory_space<hbm>>
      tpu.enqueue_dma source(%dma_start3A_90 : memref<80x128xi32, #tpu.memory_space<hbm>>) target(%arg5 : memref<80x128xi32, #tpu.memory_space<vmem>>) target_semaphore(%run_scoped3A_84 : memref<!tpu.dma_semaphore, #tpu.memory_space<semaphore_mem>>)
      %dma_wait3A = arith.constant 0 : i32
      %dma_wait3A_91 = tpu.memref_slice %arg2[%run_scoped3A, %mul3A_2, %dma_wait3A] : memref<2x2560x128xi32, #tpu.memory_space<hbm>> -> memref<1x80x128xi32, #tpu.memory_space<hbm>>
      %dma_wait3A_92 = tpu.memref_squeeze %dma_wait3A_91 : memref<1x80x128xi32, #tpu.memory_space<hbm>> -> memref<80x128xi32, #tpu.memory_space<hbm>>
      %dma_wait3A_93 = arith.constant 0 : i32
      %dma_wait3A_94 = tpu.memref_slice %arg2[%run_scoped3A, %mul3A_2, %dma_wait3A_93] : memref<2x2560x128xi32, #tpu.memory_space<hbm>> -> memref<1x80x128xi32, #tpu.memory_space<hbm>>
      %dma_wait3A_95 = tpu.memref_squeeze %dma_wait3A_94 : memref<1x80x128xi32, #tpu.memory_space<hbm>> -> memref<80x128xi32, #tpu.memory_space<hbm>>
      tpu.wait_dma2 semaphore(%run_scoped3A_84 : memref<!tpu.dma_semaphore, #tpu.memory_space<semaphore_mem>>) src(%dma_wait3A_95 : memref<80x128xi32, #tpu.memory_space<hbm>>) dst(%arg5 : memref<80x128xi32, #tpu.memory_space<vmem>>)
      tpu.yield
    }) : () -> ()
    %broadcast_in_dim3A = arith.constant 1.000000e+00 : f32
    %broadcast_in_dim3A_3 = vector.broadcast %broadcast_in_dim3A : f32 to vector<16xf32>
    %swap3A = arith.constant 0 : index
    %swap3A_4 = tpu.vector_load %arg6[%swap3A] {strides = array<i32>} : memref<128xf32, #tpu.memory_space<vmem>>, vector<16xf32>,
    %swap3A_5 = vector.shape_cast %swap3A_4 : vector<16xf32> to vector<16xf32>
    %swap3A_6 = vector.shape_cast %broadcast_in_dim3A_3 : vector<16xf32> to vector<16xf32>
    tpu.vector_store %arg6[%swap3A], %swap3A_6 {strides = array<i32>} : memref<128xf32, #tpu.memory_space<vmem>>, vector<16xf32>,
    %broadcast_in_dim3A_7 = arith.constant 1.000000e+00 : f32
    %broadcast_in_dim3A_8 = vector.broadcast %broadcast_in_dim3A_7 : f32 to vector<16xf32>
    %swap3A_9 = arith.constant 16 : index
    %swap3A_10 = tpu.vector_load %arg6[%swap3A_9] {strides = array<i32>} : memref<128xf32, #tpu.memory_space<vmem>>, vector<16xf32>,
    %swap3A_11 = vector.shape_cast %swap3A_10 : vector<16xf32> to vector<16xf32>
    %swap3A_12 = vector.shape_cast %broadcast_in_dim3A_8 : vector<16xf32> to vector<16xf32>
    tpu.vector_store %arg6[%swap3A_9], %swap3A_12 {strides = array<i32>} : memref<128xf32, #tpu.memory_space<vmem>>, vector<16xf32>,
    %broadcast_in_dim3A_13 = arith.constant 1.000000e+00 : f32
    %broadcast_in_dim3A_14 = vector.broadcast %broadcast_in_dim3A_13 : f32 to vector<16xf32>
    %swap3A_15 = arith.constant 32 : index
    %swap3A_16 = tpu.vector_load %arg6[%swap3A_15] {strides = array<i32>} : memref<128xf32, #tpu.memory_space<vmem>>, vector<16xf32>,
    %swap3A_17 = vector.shape_cast %swap3A_16 : vector<16xf32> to vector<16xf32>
    %swap3A_18 = vector.shape_cast %broadcast_in_dim3A_14 : vector<16xf32> to vector<16xf32>
    tpu.vector_store %arg6[%swap3A_15], %swap3A_18 {strides = array<i32>} : memref<128xf32, #tpu.memory_space<vmem>>, vector<16xf32>,
    %broadcast_in_dim3A_19 = arith.constant 1.000000e+00 : f32
    %broadcast_in_dim3A_20 = vector.broadcast %broadcast_in_dim3A_19 : f32 to vector<16xf32>
    %swap3A_21 = arith.constant 48 : index
    %swap3A_22 = tpu.vector_load %arg6[%swap3A_21] {strides = array<i32>} : memref<128xf32, #tpu.memory_space<vmem>>, vector<16xf32>,
    %swap3A_23 = vector.shape_cast %swap3A_22 : vector<16xf32> to vector<16xf32>
    %swap3A_24 = vector.shape_cast %broadcast_in_dim3A_20 : vector<16xf32> to vector<16xf32>
    tpu.vector_store %arg6[%swap3A_21], %swap3A_24 {strides = array<i32>} : memref<128xf32, #tpu.memory_space<vmem>>, vector<16xf32>,
    %broadcast_in_dim3A_25 = arith.constant 1.000000e+00 : f32
    %broadcast_in_dim3A_26 = vector.broadcast %broadcast_in_dim3A_25 : f32 to vector<16xf32>
    %swap3A_27 = arith.constant 64 : index
    %swap3A_28 = tpu.vector_load %arg6[%swap3A_27] {strides = array<i32>} : memref<128xf32, #tpu.memory_space<vmem>>, vector<16xf32>,
    %swap3A_29 = vector.shape_cast %swap3A_28 : vector<16xf32> to vector<16xf32>
    %swap3A_30 = vector.shape_cast %broadcast_in_dim3A_26 : vector<16xf32> to vector<16xf32>
    tpu.vector_store %arg6[%swap3A_27], %swap3A_30 {strides = array<i32>} : memref<128xf32, #tpu.memory_space<vmem>>, vector<16xf32>,
    %broadcast_in_dim3A_31 = arith.constant 1.000000e+00 : f32
    %broadcast_in_dim3A_32 = vector.broadcast %broadcast_in_dim3A_31 : f32 to vector<16xf32>
    %swap3A_33 = arith.constant 80 : index
    %swap3A_34 = tpu.vector_load %arg6[%swap3A_33] {strides = array<i32>} : memref<128xf32, #tpu.memory_space<vmem>>, vector<16xf32>,
    %swap3A_35 = vector.shape_cast %swap3A_34 : vector<16xf32> to vector<16xf32>
    %swap3A_36 = vector.shape_cast %broadcast_in_dim3A_32 : vector<16xf32> to vector<16xf32>
    tpu.vector_store %arg6[%swap3A_33], %swap3A_36 {strides = array<i32>} : memref<128xf32, #tpu.memory_space<vmem>>, vector<16xf32>,
    %broadcast_in_dim3A_37 = arith.constant 1.000000e+00 : f32
    %broadcast_in_dim3A_38 = vector.broadcast %broadcast_in_dim3A_37 : f32 to vector<16xf32>
    %swap3A_39 = arith.constant 96 : index
    %swap3A_40 = tpu.vector_load %arg6[%swap3A_39] {strides = array<i32>} : memref<128xf32, #tpu.memory_space<vmem>>, vector<16xf32>,
    %swap3A_41 = vector.shape_cast %swap3A_40 : vector<16xf32> to vector<16xf32>
    %swap3A_42 = vector.shape_cast %broadcast_in_dim3A_38 : vector<16xf32> to vector<16xf32>
    tpu.vector_store %arg6[%swap3A_39], %swap3A_42 {strides = array<i32>} : memref<128xf32, #tpu.memory_space<vmem>>, vector<16xf32>,
    %broadcast_in_dim3A_43 = arith.constant 1.000000e+00 : f32
    %broadcast_in_dim3A_44 = vector.broadcast %broadcast_in_dim3A_43 : f32 to vector<16xf32>
    %swap3A_45 = arith.constant 112 : index
    %swap3A_46 = tpu.vector_load %arg6[%swap3A_45] {strides = array<i32>} : memref<128xf32, #tpu.memory_space<vmem>>, vector<16xf32>,
    %swap3A_47 = vector.shape_cast %swap3A_46 : vector<16xf32> to vector<16xf32>
    %swap3A_48 = vector.shape_cast %broadcast_in_dim3A_44 : vector<16xf32> to vector<16xf32>
    tpu.vector_store %arg6[%swap3A_45], %swap3A_48 {strides = array<i32>} : memref<128xf32, #tpu.memory_space<vmem>>, vector<16xf32>,
    %mul3A_49 = arith.constant 1024 : i32
    %mul3A_50 = arith.muli %arg1, %mul3A_49 : i32
    %mul3A_51 = arith.constant 1024 : i32
    %mul3A_52 = arith.muli %arg1, %mul3A_51 : i32
    "tpu.region"() ({
      %run_scoped3A_84 = tpu.sem_alloc : memref<!tpu.dma_semaphore, #tpu.memory_space<semaphore_mem>>
      %dma_start3A_85 = tpu.memref_slice %arg7[%mul3A_52] : memref<16384xf32, #tpu.memory_space<vmem_shared>> -> memref<1024xf32, #tpu.memory_space<vmem_shared>>
      %dma_start3A_86 = tpu.memref_slice %arg3[%mul3A_50] : memref<16384xf32, #tpu.memory_space<hbm>> -> memref<1024xf32, #tpu.memory_space<hbm>>
      tpu.enqueue_dma source(%dma_start3A_86 : memref<1024xf32, #tpu.memory_space<hbm>>) target(%dma_start3A_85 : memref<1024xf32, #tpu.memory_space<vmem_shared>>) target_semaphore(%run_scoped3A_84 : memref<!tpu.dma_semaphore, #tpu.memory_space<semaphore_mem>>)
      %dma_wait3A = tpu.memref_slice %arg7[%mul3A_52] : memref<16384xf32, #tpu.memory_space<vmem_shared>> -> memref<1024xf32, #tpu.memory_space<vmem_shared>>
      %dma_wait3A_87 = tpu.memref_slice %arg3[%mul3A_50] : memref<16384xf32, #tpu.memory_space<hbm>> -> memref<1024xf32, #tpu.memory_space<hbm>>
      tpu.wait_dma2 semaphore(%run_scoped3A_84 : memref<!tpu.dma_semaphore, #tpu.memory_space<semaphore_mem>>) src(%dma_wait3A_87 : memref<1024xf32, #tpu.memory_space<hbm>>) dst(%dma_wait3A : memref<1024xf32, #tpu.memory_space<vmem_shared>>)
      tpu.yield
    }) : () -> ()
    %barrier3A = arith.constant 0 : index
    tpu.barrier barrier_id(%barrier3A)
    %dma_start3A = arith.constant 0 : i32
    %dma_start3A_53 = arith.constant 0 : i32
    %dma_start3A_54 = tpu.memref_slice %arg5[%dma_start3A, %dma_start3A_53] : memref<80x128xi32, #tpu.memory_space<vmem>> -> memref<1x128xi32, #tpu.memory_space<vmem>>
    %dma_start3A_55 = tpu.memref_squeeze %dma_start3A_54 : memref<1x128xi32, #tpu.memory_space<vmem>> -> memref<128xi32, #tpu.memory_space<vmem>>
    %dma_start3A_56 = arith.constant 0 : i32
    %dma_start3A_57 = tpu.memref_slice %arg7[%dma_start3A_56] : memref<16384xf32, #tpu.memory_space<vmem_shared>> -> memref<16384xf32, #tpu.memory_space<vmem_shared>>
    tpu.enqueue_indirect_dma source(%arg6 : memref<128xf32, #tpu.memory_space<vmem>>) target(%dma_start3A_57 : memref<16384xf32, #tpu.memory_space<vmem_shared>>) offsets(%dma_start3A_55 : memref<128xi32, #tpu.memory_space<vmem>>) semaphore(%arg8 : memref<!tpu.dma_semaphore, #tpu.memory_space<semaphore_mem>>) {add = true}
    %dma_start3A_58 = arith.constant 1 : i32
    %dma_start3A_59 = arith.constant 0 : i32
    %dma_start3A_60 = tpu.memref_slice %arg5[%dma_start3A_58, %dma_start3A_59] : memref<80x128xi32, #tpu.memory_space<vmem>> -> memref<1x128xi32, #tpu.memory_space<vmem>>
    %dma_start3A_61 = tpu.memref_squeeze %dma_start3A_60 : memref<1x128xi32, #tpu.memory_space<vmem>> -> memref<128xi32, #tpu.memory_space<vmem>>
    %dma_start3A_62 = arith.constant 0 : i32
    %dma_start3A_63 = tpu.memref_slice %arg7[%dma_start3A_62] : memref<16384xf32, #tpu.memory_space<vmem_shared>> -> memref<16384xf32, #tpu.memory_space<vmem_shared>>
    tpu.enqueue_indirect_dma source(%arg6 : memref<128xf32, #tpu.memory_space<vmem>>) target(%dma_start3A_63 : memref<16384xf32, #tpu.memory_space<vmem_shared>>) offsets(%dma_start3A_61 : memref<128xi32, #tpu.memory_space<vmem>>) semaphore(%arg9 : memref<!tpu.dma_semaphore, #tpu.memory_space<semaphore_mem>>) {add = true}
    %dma_start3A_64 = arith.constant 2 : i32
    %dma_start3A_65 = arith.constant 0 : i32
    %dma_start3A_66 = tpu.memref_slice %arg5[%dma_start3A_64, %dma_start3A_65] : memref<80x128xi32, #tpu.memory_space<vmem>> -> memref<1x128xi32, #tpu.memory_space<vmem>>
    %dma_start3A_67 = tpu.memref_squeeze %dma_start3A_66 : memref<1x128xi32, #tpu.memory_space<vmem>> -> memref<128xi32, #tpu.memory_space<vmem>>
    %dma_start3A_68 = arith.constant 0 : i32
    %dma_start3A_69 = tpu.memref_slice %arg7[%dma_start3A_68] : memref<16384xf32, #tpu.memory_space<vmem_shared>> -> memref<16384xf32, #tpu.memory_space<vmem_shared>>
    tpu.enqueue_indirect_dma source(%arg6 : memref<128xf32, #tpu.memory_space<vmem>>) target(%dma_start3A_69 : memref<16384xf32, #tpu.memory_space<vmem_shared>>) offsets(%dma_start3A_67 : memref<128xi32, #tpu.memory_space<vmem>>) semaphore(%arg10 : memref<!tpu.dma_semaphore, #tpu.memory_space<semaphore_mem>>) {add = true}
    %dma_start3A_70 = arith.constant 3 : i32
    %dma_start3A_71 = arith.constant 0 : i32
    %dma_start3A_72 = tpu.memref_slice %arg5[%dma_start3A_70, %dma_start3A_71] : memref<80x128xi32, #tpu.memory_space<vmem>> -> memref<1x128xi32, #tpu.memory_space<vmem>>
    %dma_start3A_73 = tpu.memref_squeeze %dma_start3A_72 : memref<1x128xi32, #tpu.memory_space<vmem>> -> memref<128xi32, #tpu.memory_space<vmem>>
    %dma_start3A_74 = arith.constant 0 : i32
    %dma_start3A_75 = tpu.memref_slice %arg7[%dma_start3A_74] : memref<16384xf32, #tpu.memory_space<vmem_shared>> -> memref<16384xf32, #tpu.memory_space<vmem_shared>>
    tpu.enqueue_indirect_dma source(%arg6 : memref<128xf32, #tpu.memory_space<vmem>>) target(%dma_start3A_75 : memref<16384xf32, #tpu.memory_space<vmem_shared>>) offsets(%dma_start3A_73 : memref<128xi32, #tpu.memory_space<vmem>>) semaphore(%arg11 : memref<!tpu.dma_semaphore, #tpu.memory_space<semaphore_mem>>) {add = true}
    %scan3A = arith.constant 0 : i32
    %scan3A_76 = arith.constant 0 : i32
    %scan3A_77 = arith.constant 20 : i32
    %scan3A_78 = arith.addi %scan3A_76, %scan3A_77 : i32
    %scan3A_79 = arith.constant 1 : i32
    scf.for %scan3A_84 = %scan3A_76 to %scan3A_78 step %scan3A_79  : i32 {
      %mul3A_85 = arith.constant 4 : i32
      %mul3A_86 = arith.muli %scan3A_84, %mul3A_85 : i32
      %dma_wait3A = arith.constant 0 : i32
      %dma_wait3A_87 = arith.constant 0 : i32
      %dma_wait3A_88 = tpu.memref_slice %arg5[%dma_wait3A, %dma_wait3A_87] : memref<80x128xi32, #tpu.memory_space<vmem>> -> memref<1x128xi32, #tpu.memory_space<vmem>>
      %dma_wait3A_89 = tpu.memref_squeeze %dma_wait3A_88 : memref<1x128xi32, #tpu.memory_space<vmem>> -> memref<128xi32, #tpu.memory_space<vmem>>
      %dma_wait3A_90 = arith.constant 0 : i32
      %dma_wait3A_91 = tpu.memref_slice %arg7[%dma_wait3A_90] : memref<16384xf32, #tpu.memory_space<vmem_shared>> -> memref<16384xf32, #tpu.memory_space<vmem_shared>>
      tpu.wait_indirect_dma semaphore(%arg8 : memref<!tpu.dma_semaphore, #tpu.memory_space<semaphore_mem>>) src(%arg6 : memref<128xf32, #tpu.memory_space<vmem>>) dst(%dma_wait3A_91 : memref<16384xf32, #tpu.memory_space<vmem_shared>>)
      %add3A_92 = arith.constant 4 : i32
      %add3A_93 = arith.addi %mul3A_86, %add3A_92 : i32
      %add3A_94 = arith.constant 0 : i32
      %add3A_95 = arith.addi %add3A_93, %add3A_94 : i32
      %lt3A = arith.constant 80 : i32
      %lt3A_96 = arith.cmpi slt, %add3A_95, %lt3A : i32
      %convert_element_type3A_97 = arith.extui %lt3A_96 : i1 to i32
      %cond3A_98 = arith.constant 0 : i32
      %cond3A_99 = arith.cmpi ne, %convert_element_type3A_97, %cond3A_98 : i32
      scf.if %cond3A_99 {
        %dma_start3A_145 = arith.constant 0 : i32
        %dma_start3A_146 = tpu.memref_slice %arg5[%add3A_95, %dma_start3A_145] : memref<80x128xi32, #tpu.memory_space<vmem>> -> memref<1x128xi32, #tpu.memory_space<vmem>>
        %dma_start3A_147 = tpu.memref_squeeze %dma_start3A_146 : memref<1x128xi32, #tpu.memory_space<vmem>> -> memref<128xi32, #tpu.memory_space<vmem>>
        %dma_start3A_148 = arith.constant 0 : i32
        %dma_start3A_149 = tpu.memref_slice %arg7[%dma_start3A_148] : memref<16384xf32, #tpu.memory_space<vmem_shared>> -> memref<16384xf32, #tpu.memory_space<vmem_shared>>
        tpu.enqueue_indirect_dma source(%arg6 : memref<128xf32, #tpu.memory_space<vmem>>) target(%dma_start3A_149 : memref<16384xf32, #tpu.memory_space<vmem_shared>>) offsets(%dma_start3A_147 : memref<128xi32, #tpu.memory_space<vmem>>) semaphore(%arg8 : memref<!tpu.dma_semaphore, #tpu.memory_space<semaphore_mem>>) {add = true}
      } else {
      }
      %dma_wait3A_100 = arith.constant 0 : i32
      %dma_wait3A_101 = arith.constant 0 : i32
      %dma_wait3A_102 = tpu.memref_slice %arg5[%dma_wait3A_100, %dma_wait3A_101] : memref<80x128xi32, #tpu.memory_space<vmem>> -> memref<1x128xi32, #tpu.memory_space<vmem>>
      %dma_wait3A_103 = tpu.memref_squeeze %dma_wait3A_102 : memref<1x128xi32, #tpu.memory_space<vmem>> -> memref<128xi32, #tpu.memory_space<vmem>>
      %dma_wait3A_104 = arith.constant 0 : i32
      %dma_wait3A_105 = tpu.memref_slice %arg7[%dma_wait3A_104] : memref<16384xf32, #tpu.memory_space<vmem_shared>> -> memref<16384xf32, #tpu.memory_space<vmem_shared>>
      tpu.wait_indirect_dma semaphore(%arg9 : memref<!tpu.dma_semaphore, #tpu.memory_space<semaphore_mem>>) src(%arg6 : memref<128xf32, #tpu.memory_space<vmem>>) dst(%dma_wait3A_105 : memref<16384xf32, #tpu.memory_space<vmem_shared>>)
      %add3A_106 = arith.constant 4 : i32
      %add3A_107 = arith.addi %mul3A_86, %add3A_106 : i32
      %add3A_108 = arith.constant 1 : i32
      %add3A_109 = arith.addi %add3A_107, %add3A_108 : i32
      %lt3A_110 = arith.constant 80 : i32
      %lt3A_111 = arith.cmpi slt, %add3A_109, %lt3A_110 : i32
      %convert_element_type3A_112 = arith.extui %lt3A_111 : i1 to i32
      %cond3A_113 = arith.constant 0 : i32
      %cond3A_114 = arith.cmpi ne, %convert_element_type3A_112, %cond3A_113 : i32
      scf.if %cond3A_114 {
        %dma_start3A_145 = arith.constant 0 : i32
        %dma_start3A_146 = tpu.memref_slice %arg5[%add3A_109, %dma_start3A_145] : memref<80x128xi32, #tpu.memory_space<vmem>> -> memref<1x128xi32, #tpu.memory_space<vmem>>
        %dma_start3A_147 = tpu.memref_squeeze %dma_start3A_146 : memref<1x128xi32, #tpu.memory_space<vmem>> -> memref<128xi32, #tpu.memory_space<vmem>>
        %dma_start3A_148 = arith.constant 0 : i32
        %dma_start3A_149 = tpu.memref_slice %arg7[%dma_start3A_148] : memref<16384xf32, #tpu.memory_space<vmem_shared>> -> memref<16384xf32, #tpu.memory_space<vmem_shared>>
        tpu.enqueue_indirect_dma source(%arg6 : memref<128xf32, #tpu.memory_space<vmem>>) target(%dma_start3A_149 : memref<16384xf32, #tpu.memory_space<vmem_shared>>) offsets(%dma_start3A_147 : memref<128xi32, #tpu.memory_space<vmem>>) semaphore(%arg9 : memref<!tpu.dma_semaphore, #tpu.memory_space<semaphore_mem>>) {add = true}
      } else {
      }
      %dma_wait3A_115 = arith.constant 0 : i32
      %dma_wait3A_116 = arith.constant 0 : i32
      %dma_wait3A_117 = tpu.memref_slice %arg5[%dma_wait3A_115, %dma_wait3A_116] : memref<80x128xi32, #tpu.memory_space<vmem>> -> memref<1x128xi32, #tpu.memory_space<vmem>>
      %dma_wait3A_118 = tpu.memref_squeeze %dma_wait3A_117 : memref<1x128xi32, #tpu.memory_space<vmem>> -> memref<128xi32, #tpu.memory_space<vmem>>
      %dma_wait3A_119 = arith.constant 0 : i32
      %dma_wait3A_120 = tpu.memref_slice %arg7[%dma_wait3A_119] : memref<16384xf32, #tpu.memory_space<vmem_shared>> -> memref<16384xf32, #tpu.memory_space<vmem_shared>>
      tpu.wait_indirect_dma semaphore(%arg10 : memref<!tpu.dma_semaphore, #tpu.memory_space<semaphore_mem>>) src(%arg6 : memref<128xf32, #tpu.memory_space<vmem>>) dst(%dma_wait3A_120 : memref<16384xf32, #tpu.memory_space<vmem_shared>>)
      %add3A_121 = arith.constant 4 : i32
      %add3A_122 = arith.addi %mul3A_86, %add3A_121 : i32
      %add3A_123 = arith.constant 2 : i32
      %add3A_124 = arith.addi %add3A_122, %add3A_123 : i32
      %lt3A_125 = arith.constant 80 : i32
      %lt3A_126 = arith.cmpi slt, %add3A_124, %lt3A_125 : i32
      %convert_element_type3A_127 = arith.extui %lt3A_126 : i1 to i32
      %cond3A_128 = arith.constant 0 : i32
      %cond3A_129 = arith.cmpi ne, %convert_element_type3A_127, %cond3A_128 : i32
      scf.if %cond3A_129 {
        %dma_start3A_145 = arith.constant 0 : i32
        %dma_start3A_146 = tpu.memref_slice %arg5[%add3A_124, %dma_start3A_145] : memref<80x128xi32, #tpu.memory_space<vmem>> -> memref<1x128xi32, #tpu.memory_space<vmem>>
        %dma_start3A_147 = tpu.memref_squeeze %dma_start3A_146 : memref<1x128xi32, #tpu.memory_space<vmem>> -> memref<128xi32, #tpu.memory_space<vmem>>
        %dma_start3A_148 = arith.constant 0 : i32
        %dma_start3A_149 = tpu.memref_slice %arg7[%dma_start3A_148] : memref<16384xf32, #tpu.memory_space<vmem_shared>> -> memref<16384xf32, #tpu.memory_space<vmem_shared>>
        tpu.enqueue_indirect_dma source(%arg6 : memref<128xf32, #tpu.memory_space<vmem>>) target(%dma_start3A_149 : memref<16384xf32, #tpu.memory_space<vmem_shared>>) offsets(%dma_start3A_147 : memref<128xi32, #tpu.memory_space<vmem>>) semaphore(%arg10 : memref<!tpu.dma_semaphore, #tpu.memory_space<semaphore_mem>>) {add = true}
      } else {
      }
      %dma_wait3A_130 = arith.constant 0 : i32
      %dma_wait3A_131 = arith.constant 0 : i32
      %dma_wait3A_132 = tpu.memref_slice %arg5[%dma_wait3A_130, %dma_wait3A_131] : memref<80x128xi32, #tpu.memory_space<vmem>> -> memref<1x128xi32, #tpu.memory_space<vmem>>
      %dma_wait3A_133 = tpu.memref_squeeze %dma_wait3A_132 : memref<1x128xi32, #tpu.memory_space<vmem>> -> memref<128xi32, #tpu.memory_space<vmem>>
      %dma_wait3A_134 = arith.constant 0 : i32
      %dma_wait3A_135 = tpu.memref_slice %arg7[%dma_wait3A_134] : memref<16384xf32, #tpu.memory_space<vmem_shared>> -> memref<16384xf32, #tpu.memory_space<vmem_shared>>
      tpu.wait_indirect_dma semaphore(%arg11 : memref<!tpu.dma_semaphore, #tpu.memory_space<semaphore_mem>>) src(%arg6 : memref<128xf32, #tpu.memory_space<vmem>>) dst(%dma_wait3A_135 : memref<16384xf32, #tpu.memory_space<vmem_shared>>)
      %add3A_136 = arith.constant 4 : i32
      %add3A_137 = arith.addi %mul3A_86, %add3A_136 : i32
      %add3A_138 = arith.constant 3 : i32
      %add3A_139 = arith.addi %add3A_137, %add3A_138 : i32
      %lt3A_140 = arith.constant 80 : i32
      %lt3A_141 = arith.cmpi slt, %add3A_139, %lt3A_140 : i32
      %convert_element_type3A_142 = arith.extui %lt3A_141 : i1 to i32
      %cond3A_143 = arith.constant 0 : i32
      %cond3A_144 = arith.cmpi ne, %convert_element_type3A_142, %cond3A_143 : i32
      scf.if %cond3A_144 {
        %dma_start3A_145 = arith.constant 0 : i32
        %dma_start3A_146 = tpu.memref_slice %arg5[%add3A_139, %dma_start3A_145] : memref<80x128xi32, #tpu.memory_space<vmem>> -> memref<1x128xi32, #tpu.memory_space<vmem>>
        %dma_start3A_147 = tpu.memref_squeeze %dma_start3A_146 : memref<1x128xi32, #tpu.memory_space<vmem>> -> memref<128xi32, #tpu.memory_space<vmem>>
        %dma_start3A_148 = arith.constant 0 : i32
        %dma_start3A_149 = tpu.memref_slice %arg7[%dma_start3A_148] : memref<16384xf32, #tpu.memory_space<vmem_shared>> -> memref<16384xf32, #tpu.memory_space<vmem_shared>>
        tpu.enqueue_indirect_dma source(%arg6 : memref<128xf32, #tpu.memory_space<vmem>>) target(%dma_start3A_149 : memref<16384xf32, #tpu.memory_space<vmem_shared>>) offsets(%dma_start3A_147 : memref<128xi32, #tpu.memory_space<vmem>>) semaphore(%arg11 : memref<!tpu.dma_semaphore, #tpu.memory_space<semaphore_mem>>) {add = true}
      } else {
      }
    }
    %scan3A_80 = arith.constant 20 : i32
    %barrier3A_81 = arith.constant 0 : index
    tpu.barrier barrier_id(%barrier3A_81)
    %eq3A = arith.constant 0 : i32
    %eq3A_82 = arith.cmpi eq, %arg1, %eq3A : i32
    %convert_element_type3A = arith.extui %eq3A_82 : i1 to i32
    %cond3A = arith.constant 0 : i32
    %cond3A_83 = arith.cmpi ne, %convert_element_type3A, %cond3A : i32
    scf.if %cond3A_83 {
      "tpu.region"() ({
        %run_scoped3A_84 = tpu.sem_alloc : memref<!tpu.dma_semaphore, #tpu.memory_space<semaphore_mem>>
        %dma_start3A_85 = arith.constant 0 : i32
        %dma_start3A_86 = tpu.memref_slice %arg4[%arg0, %dma_start3A_85] : memref<2x16384xf32, #tpu.memory_space<hbm>> -> memref<1x16384xf32, #tpu.memory_space<hbm>>
        %dma_start3A_87 = tpu.memref_squeeze %dma_start3A_86 : memref<1x16384xf32, #tpu.memory_space<hbm>> -> memref<16384xf32, #tpu.memory_space<hbm>>
        tpu.enqueue_dma source(%arg7 : memref<16384xf32, #tpu.memory_space<vmem_shared>>) target(%dma_start3A_87 : memref<16384xf32, #tpu.memory_space<hbm>>) target_semaphore(%run_scoped3A_84 : memref<!tpu.dma_semaphore, #tpu.memory_space<semaphore_mem>>)
        %dma_wait3A = arith.constant 0 : i32
        %dma_wait3A_88 = tpu.memref_slice %arg4[%arg0, %dma_wait3A] : memref<2x16384xf32, #tpu.memory_space<hbm>> -> memref<1x16384xf32, #tpu.memory_space<hbm>>
        %dma_wait3A_89 = tpu.memref_squeeze %dma_wait3A_88 : memref<1x16384xf32, #tpu.memory_space<hbm>> -> memref<16384xf32, #tpu.memory_space<hbm>>
        tpu.wait_dma2 semaphore(%run_scoped3A_84 : memref<!tpu.dma_semaphore, #tpu.memory_space<semaphore_mem>>) src(%arg7 : memref<16384xf32, #tpu.memory_space<vmem_shared>>) dst(%dma_wait3A_89 : memref<16384xf32, #tpu.memory_space<hbm>>)
        tpu.yield
      }) : () -> ()
    } else {
    }
    return
  }
}

module attributes {stable_mosaic.version = 14 : i64} {
  func.func @_mm_body(%arg0: memref<10000x128xf32, #tpu.memory_space<vmem>>, %arg1: memref<128x128xf32, #tpu.memory_space<vmem>>, %arg2: memref<10112x128xf32, #tpu.memory_space<vmem>>) attributes {dimension_semantics = [], scalar_prefetch = 0 : i64, scratch_operands = 0 : i64, tpu.core_type = #tpu.core_type<tc>} {
    %get3A = arith.constant 0 : index
    %get3A_0 = arith.constant 0 : index
    %get3A_1 = vector.load %arg0[%get3A, %get3A_0] : memref<10000x128xf32, #tpu.memory_space<vmem>>, vector<10000x128xf32>
    %get3A_2 = arith.constant 0 : index
    %get3A_3 = arith.constant 0 : index
    %get3A_4 = vector.load %arg1[%get3A_2, %get3A_3] : memref<128x128xf32, #tpu.memory_space<vmem>>, vector<128x128xf32>
    %dot_general3A = arith.constant dense<0.000000e+00> : vector<10000x128xf32>
    %dot_general3A_5 = tpu.matmul %get3A_1, %get3A_4, %dot_general3A {dimension_numbers = #tpu.dot_dimension_numbers<[1], [0], [0], [1], [0, 0, 1, 1], [], []>, transpose_lhs_hint = false} : vector<10000x128xf32>, vector<128x128xf32>, vector<10000x128xf32> -> vector<10000x128xf32>
    %swap3A = arith.constant 0 : index
    %swap3A_6 = arith.constant 0 : index
    %swap3A_7 = vector.load %arg2[%swap3A, %swap3A_6] : memref<10112x128xf32, #tpu.memory_space<vmem>>, vector<10000x128xf32>
    tpu.vector_store %arg2[%swap3A, %swap3A_6], %dot_general3A_5 {strides = array<i32>} : memref<10112x128xf32, #tpu.memory_space<vmem>>, vector<10000x128xf32>,
    %broadcast_in_dim3A = arith.constant 0.000000e+00 : f32
    %broadcast_in_dim3A_8 = vector.broadcast %broadcast_in_dim3A : f32 to vector<112x128xf32>
    %swap3A_9 = arith.constant 10000 : index
    %swap3A_10 = arith.constant 0 : index
    %swap3A_11 = vector.load %arg2[%swap3A_9, %swap3A_10] : memref<10112x128xf32, #tpu.memory_space<vmem>>, vector<112x128xf32>
    tpu.vector_store %arg2[%swap3A_9, %swap3A_10], %broadcast_in_dim3A_8 {strides = array<i32>} : memref<10112x128xf32, #tpu.memory_space<vmem>>, vector<112x128xf32>,
    return
  }
}

module attributes {stable_mosaic.version = 14 : i64} {
  func.func @_scale_body(%arg0: memref<10112x128xf32, #tpu.memory_space<vmem>>, %arg1: memref<2x128x128xf32, #tpu.memory_space<vmem>>, %arg2: memref<10112x64xf32, #tpu.memory_space<vmem>>, %arg3: memref<10112x64xf32, #tpu.memory_space<vmem>>) attributes {dimension_semantics = [], scalar_prefetch = 0 : i64, scratch_operands = 0 : i64, tpu.core_type = #tpu.core_type<tc>} {
    %get3A = arith.constant 0 : index
    %get3A_0 = arith.constant 0 : index
    %get3A_1 = vector.load %arg0[%get3A, %get3A_0] : memref<10112x128xf32, #tpu.memory_space<vmem>>, vector<10112x128xf32>
    %reshape3A = vector.shape_cast %get3A_1 : vector<10112x128xf32> to vector<79x128x128xf32>
    %get3A_2 = arith.constant 0 : index
    %get3A_3 = arith.constant 0 : index
    %get3A_4 = arith.constant 0 : index
    %get3A_5 = vector.load %arg1[%get3A_2, %get3A_3, %get3A_4] : memref<2x128x128xf32, #tpu.memory_space<vmem>>, vector<1x128x128xf32>
    %get3A_6 = vector.shape_cast %get3A_5 : vector<1x128x128xf32> to vector<128x128xf32>
    %get3A_7 = arith.constant 1 : index
    %get3A_8 = arith.constant 0 : index
    %get3A_9 = arith.constant 0 : index
    %get3A_10 = vector.load %arg1[%get3A_7, %get3A_8, %get3A_9] : memref<2x128x128xf32, #tpu.memory_space<vmem>>, vector<1x128x128xf32>
    %get3A_11 = vector.shape_cast %get3A_10 : vector<1x128x128xf32> to vector<128x128xf32>
    %add3A = arith.addf %get3A_6, %get3A_11 : vector<128x128xf32>
    %add3A_12 = arith.constant 1.000000e+00 : f32
    %add3A_13 = vector.broadcast %add3A_12 : f32 to vector<128x128xf32>
    %add3A_14 = arith.addf %add3A, %add3A_13 : vector<128x128xf32>
    %rsqrt3A = math.rsqrt %add3A_14 : vector<128x128xf32>
    %slice3A = vector.extract_strided_slice %rsqrt3A {offsets = [0, 0], sizes = [79, 128], strides = [1, 1]} : vector<128x128xf32> to vector<79x128xf32>
    %broadcast_in_dim3A = vector.shape_cast %slice3A : vector<79x128xf32> to vector<79x128x1xf32>
    %mul3A = vector.broadcast %broadcast_in_dim3A : vector<79x128x1xf32> to vector<79x128x128xf32>
    %mul3A_15 = arith.mulf %reshape3A, %mul3A : vector<79x128x128xf32>
    %reshape3A_16 = vector.shape_cast %mul3A_15 : vector<79x128x128xf32> to vector<10112x128xf32>
    %slice3A_17 = vector.extract_strided_slice %reshape3A_16 {offsets = [0, 0], sizes = [10112, 64], strides = [1, 1]} : vector<10112x128xf32> to vector<10112x64xf32>
    %swap3A = arith.constant 0 : index
    %swap3A_18 = arith.constant 0 : index
    %swap3A_19 = vector.load %arg2[%swap3A, %swap3A_18] : memref<10112x64xf32, #tpu.memory_space<vmem>>, vector<10112x64xf32>
    tpu.vector_store %arg2[%swap3A, %swap3A_18], %slice3A_17 {strides = array<i32>} : memref<10112x64xf32, #tpu.memory_space<vmem>>, vector<10112x64xf32>,
    %slice3A_20 = vector.extract_strided_slice %reshape3A_16 {offsets = [0, 64], sizes = [10112, 64], strides = [1, 1]} : vector<10112x128xf32> to vector<10112x64xf32>
    %swap3A_21 = arith.constant 0 : index
    %swap3A_22 = arith.constant 0 : index
    %swap3A_23 = vector.load %arg3[%swap3A_21, %swap3A_22] : memref<10112x64xf32, #tpu.memory_space<vmem>>, vector<10112x64xf32>
    tpu.vector_store %arg3[%swap3A_21, %swap3A_22], %slice3A_20 {strides = array<i32>} : memref<10112x64xf32, #tpu.memory_space<vmem>>, vector<10112x64xf32>,
    return
  }
}

module attributes {stable_mosaic.version = 14 : i64} {
  func.func @_fin_body(%arg0: memref<2x2x10112x64xf32, #tpu.memory_space<vmem>>, %arg1: memref<2x128x128xf32, #tpu.memory_space<vmem>>, %arg2: memref<1x128xf32, #tpu.memory_space<vmem>>, %arg3: memref<10000x128xf32, #tpu.memory_space<vmem>>, %arg4: memref<10000x128xf32, #tpu.memory_space<vmem>>) attributes {dimension_semantics = [], scalar_prefetch = 0 : i64, scratch_operands = 0 : i64, tpu.core_type = #tpu.core_type<tc>} {
    %get3A = arith.constant 0 : index
    %get3A_0 = arith.constant 0 : index
    %get3A_1 = arith.constant 0 : index
    %get3A_2 = vector.load %arg1[%get3A, %get3A_0, %get3A_1] : memref<2x128x128xf32, #tpu.memory_space<vmem>>, vector<1x128x128xf32>
    %get3A_3 = vector.shape_cast %get3A_2 : vector<1x128x128xf32> to vector<128x128xf32>
    %get3A_4 = arith.constant 1 : index
    %get3A_5 = arith.constant 0 : index
    %get3A_6 = arith.constant 0 : index
    %get3A_7 = vector.load %arg1[%get3A_4, %get3A_5, %get3A_6] : memref<2x128x128xf32, #tpu.memory_space<vmem>>, vector<1x128x128xf32>
    %get3A_8 = vector.shape_cast %get3A_7 : vector<1x128x128xf32> to vector<128x128xf32>
    %add3A = arith.addf %get3A_3, %get3A_8 : vector<128x128xf32>
    %add3A_9 = arith.constant 1.000000e+00 : f32
    %add3A_10 = vector.broadcast %add3A_9 : f32 to vector<128x128xf32>
    %add3A_11 = arith.addf %add3A, %add3A_10 : vector<128x128xf32>
    %rsqrt3A = math.rsqrt %add3A_11 : vector<128x128xf32>
    %slice3A = vector.extract_strided_slice %rsqrt3A {offsets = [0, 0], sizes = [79, 128], strides = [1, 1]} : vector<128x128xf32> to vector<79x128xf32>
    %broadcast_in_dim3A = vector.shape_cast %slice3A : vector<79x128xf32> to vector<79x128x1xf32>
    %get3A_12 = arith.constant 0 : index
    %get3A_13 = arith.constant 0 : index
    %get3A_14 = arith.constant 0 : index
    %get3A_15 = arith.constant 0 : index
    %get3A_16 = vector.load %arg0[%get3A_12, %get3A_13, %get3A_14, %get3A_15] : memref<2x2x10112x64xf32, #tpu.memory_space<vmem>>, vector<1x1x10112x64xf32>
    %get3A_17 = vector.shape_cast %get3A_16 : vector<1x1x10112x64xf32> to vector<10112x64xf32>
    %get3A_18 = arith.constant 0 : index
    %get3A_19 = arith.constant 1 : index
    %get3A_20 = arith.constant 0 : index
    %get3A_21 = arith.constant 0 : index
    %get3A_22 = vector.load %arg0[%get3A_18, %get3A_19, %get3A_20, %get3A_21] : memref<2x2x10112x64xf32, #tpu.memory_space<vmem>>, vector<1x1x10112x64xf32>
    %get3A_23 = vector.shape_cast %get3A_22 : vector<1x1x10112x64xf32> to vector<10112x64xf32>
    %add3A_24 = arith.addf %get3A_17, %get3A_23 : vector<10112x64xf32>
    %reshape3A = vector.shape_cast %add3A_24 : vector<10112x64xf32> to vector<79x128x64xf32>
    %mul3A = vector.broadcast %broadcast_in_dim3A : vector<79x128x1xf32> to vector<79x128x64xf32>
    %mul3A_25 = arith.mulf %reshape3A, %mul3A : vector<79x128x64xf32>
    %reshape3A_26 = vector.shape_cast %mul3A_25 : vector<79x128x64xf32> to vector<10112x64xf32>
    %get3A_27 = arith.constant 1 : index
    %get3A_28 = arith.constant 0 : index
    %get3A_29 = arith.constant 0 : index
    %get3A_30 = arith.constant 0 : index
    %get3A_31 = vector.load %arg0[%get3A_27, %get3A_28, %get3A_29, %get3A_30] : memref<2x2x10112x64xf32, #tpu.memory_space<vmem>>, vector<1x1x10112x64xf32>
    %get3A_32 = vector.shape_cast %get3A_31 : vector<1x1x10112x64xf32> to vector<10112x64xf32>
    %get3A_33 = arith.constant 1 : index
    %get3A_34 = arith.constant 1 : index
    %get3A_35 = arith.constant 0 : index
    %get3A_36 = arith.constant 0 : index
    %get3A_37 = vector.load %arg0[%get3A_33, %get3A_34, %get3A_35, %get3A_36] : memref<2x2x10112x64xf32, #tpu.memory_space<vmem>>, vector<1x1x10112x64xf32>
    %get3A_38 = vector.shape_cast %get3A_37 : vector<1x1x10112x64xf32> to vector<10112x64xf32>
    %add3A_39 = arith.addf %get3A_32, %get3A_38 : vector<10112x64xf32>
    %reshape3A_40 = vector.shape_cast %add3A_39 : vector<10112x64xf32> to vector<79x128x64xf32>
    %mul3A_41 = vector.broadcast %broadcast_in_dim3A : vector<79x128x1xf32> to vector<79x128x64xf32>
    %mul3A_42 = arith.mulf %reshape3A_40, %mul3A_41 : vector<79x128x64xf32>
    %reshape3A_43 = vector.shape_cast %mul3A_42 : vector<79x128x64xf32> to vector<10112x64xf32>
    %slice3A_44 = vector.extract_strided_slice %reshape3A_26 {offsets = [0, 0], sizes = [10000, 64], strides = [1, 1]} : vector<10112x64xf32> to vector<10000x64xf32>
    %get3A_45 = arith.constant 0 : index
    %get3A_46 = arith.constant 0 : index
    %get3A_47 = vector.load %arg2[%get3A_45, %get3A_46] : memref<1x128xf32, #tpu.memory_space<vmem>>, vector<1x64xf32>
    %add3A_48 = vector.broadcast %get3A_47 : vector<1x64xf32> to vector<10000x64xf32>
    %add3A_49 = arith.addf %slice3A_44, %add3A_48 : vector<10000x64xf32>
    %slice3A_50 = vector.extract_strided_slice %reshape3A_43 {offsets = [0, 0], sizes = [10000, 64], strides = [1, 1]} : vector<10112x64xf32> to vector<10000x64xf32>
    %get3A_51 = arith.constant 0 : index
    %get3A_52 = arith.constant 64 : index
    %get3A_53 = vector.load %arg2[%get3A_51, %get3A_52] : memref<1x128xf32, #tpu.memory_space<vmem>>, vector<1x64xf32>
    %add3A_54 = vector.broadcast %get3A_53 : vector<1x64xf32> to vector<10000x64xf32>
    %add3A_55 = arith.addf %slice3A_50, %add3A_54 : vector<10000x64xf32>
    %swap3A = arith.constant 0 : index
    %swap3A_56 = arith.constant 0 : index
    %swap3A_57 = vector.load %arg4[%swap3A, %swap3A_56] : memref<10000x128xf32, #tpu.memory_space<vmem>>, vector<10000x64xf32>
    tpu.vector_store %arg4[%swap3A, %swap3A_56], %add3A_49 {strides = array<i32>} : memref<10000x128xf32, #tpu.memory_space<vmem>>, vector<10000x64xf32>,
    %swap3A_58 = arith.constant 0 : index
    %swap3A_59 = arith.constant 64 : index
    %swap3A_60 = vector.load %arg4[%swap3A_58, %swap3A_59] : memref<10000x128xf32, #tpu.memory_space<vmem>>, vector<10000x64xf32>
    tpu.vector_store %arg4[%swap3A_58, %swap3A_59], %add3A_55 {strides = array<i32>} : memref<10000x128xf32, #tpu.memory_space<vmem>>, vector<10000x64xf32>,
    %max3A = arith.constant 0.000000e+00 : f32
    %max3A_61 = vector.broadcast %max3A : f32 to vector<10000x64xf32>
    %max3A_62 = arith.maximumf %add3A_49, %max3A_61 : vector<10000x64xf32>
    %swap3A_63 = arith.constant 0 : index
    %swap3A_64 = arith.constant 0 : index
    %swap3A_65 = vector.load %arg3[%swap3A_63, %swap3A_64] : memref<10000x128xf32, #tpu.memory_space<vmem>>, vector<10000x64xf32>
    tpu.vector_store %arg3[%swap3A_63, %swap3A_64], %max3A_62 {strides = array<i32>} : memref<10000x128xf32, #tpu.memory_space<vmem>>, vector<10000x64xf32>,
    %max3A_66 = arith.constant 0.000000e+00 : f32
    %max3A_67 = vector.broadcast %max3A_66 : f32 to vector<10000x64xf32>
    %max3A_68 = arith.maximumf %add3A_55, %max3A_67 : vector<10000x64xf32>
    %swap3A_69 = arith.constant 0 : index
    %swap3A_70 = arith.constant 64 : index
    %swap3A_71 = vector.load %arg3[%swap3A_69, %swap3A_70] : memref<10000x128xf32, #tpu.memory_space<vmem>>, vector<10000x64xf32>
    tpu.vector_store %arg3[%swap3A_69, %swap3A_70], %max3A_68 {strides = array<i32>} : memref<10000x128xf32, #tpu.memory_space<vmem>>, vector<10000x64xf32>,
    return
  }
}

</mosaic_0001>

<sc_bundles>
// kernel: kernel.10.cloned.1.call-start
scs
__scs_entry_jumppad:
0x0: {  	(pc) =	sbr.rel $0x88, $3  }
0x1: {  	(tag) =	ssettag $0x0;
	lr =	simm.s32 $0x1  }
0x2: {  	[smem:$0x3F9D] =	sst lr;
	_ =	strace $0xD0000000  }
0x3: {  	_ = 	snop  }
0x4: {  	_ = 	snop  }
0x5: {  	_ = 	snop  }
0x6: {  	_ = 	snop  }
0x7: {  	_ = 	snop  }
__scs_overlays_trampoline_lowered:
0x8: {  	[smem:$0x3FAC] =	sst s0  }
0x9: {  	[smem:$0x3FAD] =	sst s1  }
0xa: {  	[smem:$0x3FAE] =	sst s2  }
0xb: {  	[smem:$0x3FAF] =	sst s3  }
0xc: {  	[smem:$0x3FB0] =	sst s4  }
0xd: {  	[smem:$0x3FB1] =	sst s5  }
0xe: {  	[smem:$0x3FB2] =	sst s6  }
0xf: {  	[smem:$0x3FB3] =	sst s7  }
0x10: {  	[smem:$0x3FB4] =	sst s8  }
0x11: {  	[smem:$0x3FB5] =	sst s9;
	s0 =	simm.s32 @!p0 $0x0  }
0x12: {  	s1 =	sld [smem:$0x3F9B];
	s0 =	simm.s32 @p0 $0x1  }
0x13: {  	[smem:$0x3FB6] =	sst s0;
	s0 =	simm.s32 @!p1 $0x0  }
0x14: {  	s2 =	sld [smem:$0x3F9A];
	s0 =	simm.s32 @p1 $0x1  }
0x15: {  	[smem:$0x3FB7] =	sst s0;
	s0 =	simm.s32 @!p2 $0x0  }
0x16: {  	s3 =	sld [smem:$0x3FDB];
	s0 =	simm.s32 @p2 $0x1  }
0x17: {  	s4 =	simm.s32 $0x1BF5;
	[smem:$0x3FB9] =	sst s0  }
0x18: {  	s0 =	sld [smem:$0x3F9C];
	_ =	swait.ge [sflag:s4], $0x0  }
0x19: {  	s7 =	sld [smem:$0x3F9D]  }
0x1a: {  	s8 =	sadd.s32 $0xFFFFE003, lr  }
0x1b: {  	s9 =	sadd.s32 $0xFFFFFEF7, lr;
	s5 =	simm.s32 $0xFFFFFFFF;
	p2 =	slt.u32 s8, $0xFFFFF086  }
0x1c: {  	p1 =	slt.u32 s9, $0xF7A;
	s5 =	simm.s32 @!p2 $0x0  }
0x1d: {  	s5 =	simm.s32 @p1 $0x1;
	p0 =	seq.s32 s7, s2  }
0x1e: {  	s7 =	smul.u32 @!p0 $0xF7A, s2;
	p2 =	seq.s32 @!p0 s5, $0x0  }
0x1f: {  	s9 =	smul.u32 $0xF7A, s1;
	s8 =	simm.s32 @!p0 $0x1BF5;
	p2 =	por !p2, p0  }
0x20: {  	[sflag:s8] =	ssyncset.s32 @!p0 $0xFFFFF086;
	s6 =	sadd.s32 @!p0 s3, s7;
	s7 =	simm.s32 @!p0 $0x108  }
0x21: {  	s3 =	sadd.s32 s3, s9;
	s6 =	sadd.s32 @!p0 $0x88, s6;
	s7 =	simm.s32 @p2 $0x1082  }
0x22: {  	[simem:s7], [sflag:s8] =	dma.local @!p0 [hbm:s6], $0xF7A  }
0x23: {  	s9 =	sor.u32 $0xD0000000, s2;
	s6 =	simm.s32 $0x108;
	_ =	swait.ge @!p0 [sflag:s8], $0x0  }
0x24: {  	s3 =	sadd.s32 $0x88, s3;
	s6 =	simm.s32 @!p1 $0x1082;
	[sflag:s4] =	ssyncset.s32 $0xFFFFF086  }
0x25: {  	[simem:s6], [sflag:s4] =	dma.local [hbm:s3], $0xF7A  }
0x26: {  	[smem:$0x3F9D] =	sst s1;
	(tag) =	ssettag s2;
	_ =	strace s9  }
0x27: {  	s1 =	sld [smem:$0x3FAD]  }
0x28: {  	s2 =	sld [smem:$0x3FAE]  }
0x29: {  	s4 =	sld [smem:$0x3FB0]  }
0x2a: {  	p0 =	seq.s32 s5, $0x0;
	s5 =	sld [smem:$0x3FB1]  }
0x2b: {  	s6 =	sld [smem:$0x3FB2]  }
0x2c: {  	s7 =	sld [smem:$0x3FB3]  }
0x2d: {  	s3 =	simm.s32 $0x108;
	s8 =	sld [smem:$0x3FB4]  }
0x2e: {  	s3 =	simm.s32 @!p0 $0x1082;
	s9 =	sld [smem:$0x3FB5]  }
0x2f: {  	lr =	sadd.s32 s0, s3;
	s0 =	sld [smem:$0x3FAC]  }
0x30: {  	s3 =	sld [smem:$0x3FAF]  }
0x31: {  	[smem:$0x3FB8] =	sst s10  }
0x32: {  	s10 =	sld [smem:$0x3FB6];
	_ =	sdelay $0x3  }
0x33: {  	p0 =	seq.s32 s10, $0x1;
	s10 =	sld [smem:$0x3FB8];
	_ =	sdelay $0x3  }
0x34: {  	[smem:$0x3FB8] =	sst s10  }
0x35: {  	s10 =	sld [smem:$0x3FB7];
	_ =	sdelay $0x3  }
0x36: {  	p1 =	seq.s32 s10, $0x1;
	s10 =	sld [smem:$0x3FB8];
	_ =	sdelay $0x3  }
0x37: {  	[smem:$0x3FB8] =	sst s10  }
0x38: {  	s10 =	sld [smem:$0x3FB9]  }
0x39: {  	_ = 	snop;
	(pc) =	sbr.ind lr, $3  }
0x3a: {  	_ = 	snop  }
0x3b: {  	_ = 	snop  }
0x3c: {  	p2 =	seq.s32 s10, $0x1;
	s10 =	sld [smem:$0x3FB8]  }
0x3d: {  	_ =	shalt  }
0x3e: {  	_ =	shalt  }
0x3f: {  	_ =	shalt  }
0x40: {  	_ =	shalt  }
0x41: {  	_ =	shalt  }
0x42: {  	_ =	shalt  }
0x43: {  	_ =	shalt  }
0x44: {  	_ =	shalt  }
0x45: {  	_ =	shalt  }
0x46: {  	_ =	shalt  }
0x47: {  	_ =	shalt  }
0x48: {  	_ =	shalt  }
0x49: {  	_ =	shalt  }
0x4a: {  	_ =	shalt  }
0x4b: {  	_ =	shalt  }
0x4c: {  	_ =	shalt  }
0x4d: {  	_ =	shalt  }
0x4e: {  	_ =	shalt  }
0x4f: {  	_ =	shalt  }
0x50: {  	_ =	shalt  }
0x51: {  	_ =	shalt  }
0x52: {  	_ =	shalt  }
0x53: {  	_ =	shalt  }
0x54: {  	_ =	shalt  }
0x55: {  	_ =	shalt  }
0x56: {  	_ =	shalt  }
0x57: {  	_ =	shalt  }
0x58: {  	_ =	shalt  }
0x59: {  	_ =	shalt  }
0x5a: {  	_ =	shalt  }
0x5b: {  	_ =	shalt  }
0x5c: {  	_ =	shalt  }
0x5d: {  	_ =	shalt  }
0x5e: {  	_ =	shalt  }
0x5f: {  	_ =	shalt  }
0x60: {  	_ =	shalt  }
0x61: {  	_ =	shalt  }
0x62: {  	_ =	shalt  }
0x63: {  	_ =	shalt  }
0x64: {  	_ =	shalt  }
0x65: {  	_ =	shalt  }
0x66: {  	_ =	shalt  }
0x67: {  	_ =	shalt  }
0x68: {  	_ =	shalt  }
0x69: {  	_ =	shalt  }
0x6a: {  	_ =	shalt  }
0x6b: {  	_ =	shalt  }
0x6c: {  	_ =	shalt  }
0x6d: {  	_ =	shalt  }
0x6e: {  	_ =	shalt  }
0x6f: {  	_ =	shalt  }
0x70: {  	_ =	shalt  }
0x71: {  	_ =	shalt  }
0x72: {  	_ =	shalt  }
0x73: {  	_ =	shalt  }
0x74: {  	_ =	shalt  }
0x75: {  	_ =	shalt  }
0x76: {  	_ =	shalt  }
0x77: {  	_ =	shalt  }
0x78: {  	_ =	shalt  }
0x79: {  	_ =	shalt  }
0x7a: {  	_ =	shalt  }
0x7b: {  	_ =	shalt  }
0x7c: {  	_ =	shalt  }
0x7d: {  	_ =	shalt  }
0x7e: {  	_ =	shalt  }
0x7f: {  	_ =	shalt  }
0x80: {  	_ =	shalt  }
0x81: {  	_ =	shalt  }
0x82: {  	_ =	shalt  }
0x83: {  	_ =	shalt  }
0x84: {  	_ =	shalt  }
0x85: {  	_ =	shalt  }
0x86: {  	_ =	shalt  }
0x87: {  	_ =	shalt  }
.Lfunc_end0:
.L_simem_size_0:
called_computation.1_lowered:
.L_overlay_start_0:
0x88: {  	s2 =	sld [smem:$0x3FD9]  }
0x89: {  	s3 =	sld [smem:$0x3FFE];
	_ =	sdelay $0x1  }
0x8a: {  	s1 =	srdreg.scid  }
0x8b: {  	s0 =	sand.u32 $0x1, s1  }
0x8c: {  	s14 =	sshll.u32 s0, $0xA;
	s2 =	sadd.s32 s3, s2  }
0x8d: {  	s2 =	sadd.s32 s2, s14  }
0x8e: {  	[smem:$0x3FC4] =	sst s2  }
0x8f: {  	_ = 	snop  }
0x90: {  	s2 =	sld [smem:$0x3FD0];
	_ =	sdelay $0x2  }
0x91: {  	s15 =	simm.s32 $0xA;
	s4 =	simm.s32 $0x10  }
0x92: {  	[smem:s4], [sflag:s15] =	dma.local [hbm:s2], $0x1  }
0x93: {  	_ =	swait.eq [sflag:s15], $0x1  }
0x94: {  	[sflag:s15] =	ssyncset.done $0x0  }
0x95: {  	s16 =	sld [smem:$0x10];
	[sflag:s15] =	ssyncadd.s32 $0xFFFFFFFF  }
0x96: {  	s17 =	sld [smem:$0x11];
	(tm) =	ssettm $0x1  }
0x97: {  	s18 =	sld [smem:$0x3FFB];
	_ =	sdelay $0x3  }
0x98: {  	_ =	strace s18  }
0x99: {  	s4 =	sld [smem:$0x3FFC];
	_ =	sdelay $0x3  }
0x9a: {  	_ =	strace s4  }
0x9b: {  	s4 =	sld [smem:$0x3FFD];
	_ =	sdelay $0x3  }
0x9c: {  	_ =	strace s4  }
0x9d: {  	_ =	strace $0x8FFFFFFF  }
0x9e: {  	s19 =	sld [smem:$0x3FDB];
	_ =	sdelay $0x1  }
0x9f: {  	s5 =	simm.s32 $_scs_section_size  }
0xa0: {  	s6 =	simm.s32 $_size__tile_overlayer_lowered;
	s7 =	simm.s32 $_tile_overlayer_lowered  }
0xa1: {  	s22 =	simm.s32 $0x1BFF;
	s21 =	sshll.u32 s7, $0x1;
	s4 =	sadd.s32 s5, s19  }
0xa2: {  	s8 =	simm.s32 $0x0;
	s20 =	sshll.u32 s6, $0x1;
	s6 =	sadd.s32 s21, s4  }
0xa3: {  	[timem:s8], [sflag:s22] =	dma.local [hbm:s6], s20  }
0xa4: {  	_ =	swait.ge [sflag:s22], s20  }
0xa5: {  	s5 =	ssub.s32 $0x0, s20;
	[sflag:s22] =	ssyncset.done $0x0  }
0xa6: {  	[sflag:s22] =	ssyncadd.s32 s5;
	_ =	sdelay $0x1  }
0xa7: {  	s23 =	simm.s32 $0x1B8B  }
0xa8: {  	_ =	swait.ge [sflag:s23], $0x1  }
0xa9: {  	[sflag:s23] =	ssyncset.done $0x0  }
0xaa: {  	s25 =	simm.s32 $0x1B8E;
	s24 =	sld [smem:$0x3FFE];
	[sflag:s23] =	ssyncadd.s32 $0xFFFFFFFF  }
0xab: {  	s26 =	simm.s32 $execute0_lowered;
	[smem:$0x3FD2] =	sst s25  }
0xac: {  	s6 =	sshll.u32 s26, $0x1;
	_ =	strace $0x80000049;
	[dreg:$0x1] =	wrdreg $0xFFFFFFFF  }
0xad: {  	s28 =	simm.s32 $_size_execute0_lowered;
	s4 =	sadd.s32 s4, s6;
	[dreg:$0x0] =	wrdreg $0x0  }
0xae: {  	s6 =	sshll.u32 s28, $0x1;
	[dreg:$0x2] =	wrdreg s4  }
0xaf: {  	[dreg:$0x3] =	wrdreg s6  }
0xb0: {  	[dreg:$0x4] =	wrdreg $0xC0  }
0xb1: {  	_ =	task [dreg:s8], $0x5FFFF  }
0xb2: {  	[dreg:$0x1] =	wrdreg $0xFFFFFFFF  }
0xb3: {  	[dreg:$0x0] =	wrdreg $0x60  }
0xb4: {  	[dreg:$0x2] =	wrdreg s16  }
0xb5: {  	[dreg:$0x3] =	wrdreg s24  }
0xb6: {  	[dreg:$0x4] =	wrdreg s17  }
0xb7: {  	[dreg:$0x5] =	wrdreg $0x90000  }
0xb8: {  	[dreg:$0x6] =	wrdreg $0x12E000  }
0xb9: {  	[dreg:$0x7] =	wrdreg $0x9  }
0xba: {  	_ =	task.clear_ibuf [dreg:s8], $0x8FFFF;
	_ =	strace $0x90000049  }
0xbb: {  	s29 =	simm.s32 $0x9;
	_ =	strace $0x8000004B  }
0xbc: {  	_ =	swait.ge [sflag:s29], $0x1  }
0xbd: {  	[sflag:s29] =	ssyncadd.s32 $0xFFFFFFFF  }
0xbe: {  	_ =	strace $0x9000004B  }
0xbf: {  	_ =	sfence  }
0xc0: {  	s30 =	sld [smem:$0x0];
	_ =	sdelay $0x2  }
0xc1: {  	s31 =	sshll.u32 s1, $0xD;
	s1 =	sshrl.u32 s1, $0x2  }
0xc2: {  	s3 =	sand.u32 $0x4000, s31;
	s1 =	sadd.s32 s1, s30  }
0xc3: {  	s0 =	sor.u32 s3, s0;
	s1 =	sshll.u32 s1, $0x11  }
0xc4: {  	s0 =	sor.u32 s1, s0  }
0xc5: {  	s0 =	sadd.s32 $0x8F2B, s0  }
0xc6: {  	[sflag:s0] =	ssyncadd.remote.s32 $0x1  }
0xc7: {  	_ =	sfence.sel $0xFFFF  }
0xc8: {  	[dreg:$0x0] =	wrdreg $0xFFFFFFFF;
	(pc) =	sbr.abs _section_cstart, $3  }
0xc9: {  	[dreg:$0x1] =	wrdreg $0xFFFFFFFF  }
0xca: {  	_ =	task.clear_ibuf [dreg:s8], $0x2FFFF;
	_ =	strace $0x9FFFFFFF  }
0xcb: {  	(tm) =	ssettm $0x7FFFFFFF  }
tec
execute0_lowered:
.L_overlay_start_1:
0x0: {  	(tag) =	ssettag $0x1  }
0x1: {  	s7 =	rddreg [dreg:$0x0]  }
0x2: {  	s5 =	rddreg [dreg:$0x1]  }
0x3: {  	s6 =	rddreg [dreg:$0x2]  }
0x4: {  	s2 =	rddreg [dreg:$0x3]  }
0x5: {  	s3 =	rddreg [dreg:$0x4];
	s4 =	srdreg.scid  }
0x6: {  	s1 =	stileid.u32;
	s19 =	simm.s32 $0x80;
	s20 =	simm.s32 $0x5000  }
0x7: {  	s21 =	simm.s32 $0x7000;
	s22 =	simm.s32 $0x1;
	s23 =	simm.s32 $0x2  }
0x8: {  	s24 =	simm.s32 $0x3;
	s25 =	simm.s32 $0x4;
	s26 =	simm.s32 $0x4F00  }
0x9: {  	s28 =	simm.s32 $0x4F80;
	s29 =	simm.s32 $0x0;
	s13 =	sand.u32 $0x1, s4  }
0xa: {  	s4 =	simm.s32 $0x0;
	s8 =	smul.u32 $0x9E00, s1;
	s31 =	sshll.u32 s1, $0x6  }
0xb: {  	s9 =	sshll.u32 s13, $0x4;
	[smem:$0x7FF] =	sst s4;
	s10 =	smul.u32 $0x9E000, s13  }
0xc: {  	s14 =	ssub.s32 $0x2, s13;
	p0 =	seq.s32 s13, $0x0;
	s13 =	simm.s32 $0x5  }
0xd: {  	s9 =	sor.u32 s1, s9;
	_ =	strace $0x8000004A;
	s11 =	sshrl.u32 s8, $0x3  }
0xe: {  	s15 =	sshrl.u32 s14, $0x1;
	s17 =	sadd.s32 s8, s2;
	s18 =	sadd.s32 s8, s3  }
0xf: {  	s9 =	smul.u32 $0x2800, s9;
	s12 =	sadd.s32 s11, s5;
	s10 =	sadd.s32 s8, s10  }
0x10: {  	s14 =	ssub.s32 s14, s15;
	s7 =	sadd.s32 s7, s11;
	s15 =	sor.u32 $0x1C05, s31  }
0x11: {  	s18 =	sshrl.u32 s18, $0x3;
	s10 =	sshrl.u32 s10, $0x3;
	s8 =	sadd.s32 $0x15400, s12  }
0x12: {  	s9 =	sshrl.u32 s9, $0x3;
	s16 =	sadd.s32 s10, s5;
	s10 =	sadd.s32 $0x1800, s12  }
0x13: {  	s12 =	smax.u32 s14, $0x1;
	s5 =	sadd.s32 s6, s9;
	s9 =	sadd.s32 $0x29000, s16  }
0x14: {  	s11 =	sadd.s32 $0x50800, s16;
	s16 =	sshrl.u32 s17, $0x3;
	s17 =	smov.u32 s8  }
0x15: {  	s14 =	simm.s32 $0x2800;
	s6 =	sadd.s32 $0xA000, s5;
	s17 =	smov.u32 @p0 s7  }
.LBB2_1:
0x16: {  	[tilespmem:s4], [sflag:$0x5] =	stream.linear.gather [hbm4b:s5+s4], $0x2800, $0x38;
	[tilespmem:$0x1CC00] =	vst v63  }
0x17: {  	_ =	swait.ge [sflag:s13], $0x2800  }
0x18: {  	[sflag:s13] =	ssyncset.done $0x0  }
0x19: {  	[sflag:s13] =	ssyncadd.s32 $0xFFFFD800  }
0x1a: {  	[tilespmem:s14], [sflag:$0x5] =	stream.linear.gather [hbm4b:s6+s4], $0x2800, $0x38;
	[tilespmem:$0x1CC00] =	vst v63  }
0x1b: {  	_ =	swait.ge [sflag:s13], $0x2800  }
0x1c: {  	[sflag:s13] =	ssyncset.done $0x0  }
0x1d: {  	[sflag:s13] =	ssyncadd.s32 $0xFFFFD800  }
0x1e: {  	[spmem:s16], [sflag:s15] =	dma.local [hbm:s7], $0x13C0  }
0x1f: {  	_ =	swait.ge [sflag:s13], $0x13C0  }
0x20: {  	[sflag:s13] =	ssyncset.done $0x0  }
0x21: {  	[sflag:s13] =	ssyncadd.s32 $0xFFFFEC40  }
0x22: {  	[spmem:s18], [sflag:s15] =	dma.local [hbm:s17], $0x13C0  }
0x23: {  	_ =	swait.ge [sflag:s13], $0x13C0  }
0x24: {  	[sflag:s13] =	ssyncset.done $0x0  }
0x25: {  	[sflag:s13] =	ssyncadd.s32 $0xFFFFEC40  }
0x26: {  	[bflag:$0x0] =	sbarrier.arrive $0xFFFF  }
0x27: {  	[tilespmem:s20], [sflag:$0x1] =	stream.indirect.gather [spmem:s2], $0x40, s4, s19, $0xb8;
	[tilespmem:$0x1CC00] =	vst v63  }
0x28: {  	_ = 	snop  }
0x29: {  	[tilespmem:s21], [sflag:$0x2] =	stream.indirect.gather [spmem:s2], $0x40, s19, s19, $0xb8;
	[tilespmem:$0x1CC00] =	vst v63  }
0x2a: {  	_ =	swait.ge [sflag:s22], $0x2000  }
0x2b: {  	[sflag:s22] =	ssyncset.done $0x0  }
0x2c: {  	s30 =	simm.s32 $0x2800;
	[sflag:s22] =	ssyncadd.s32 $0xFFFFE000  }
0x2d: {  	[spmem:s3] =	stream.indirect.scatter.add.f32 [tilespmem:s20], [sflag:$0x3], $0x40, s30, s19, $0xb8;
	[tilespmem:$0x1CC00] =	vst v63  }
0x2e: {  	_ =	swait.ge [sflag:s23], $0x2000  }
0x2f: {  	[sflag:s23] =	ssyncset.done $0x0  }
0x30: {  	s30 =	simm.s32 $0x2880;
	[sflag:s23] =	ssyncadd.s32 $0xFFFFE000  }
0x31: {  	[spmem:s3] =	stream.indirect.scatter.add.f32 [tilespmem:s21], [sflag:$0x4], $0x40, s30, s19, $0xb8;
	[tilespmem:$0x1CC00] =	vst v63  }
0x32: {  	_ =	swait.ge [sflag:s24], $0x2000  }
0x33: {  	[sflag:s24] =	ssyncset.done $0x0  }
0x34: {  	s30 =	simm.s32 $0x100;
	[sflag:s24] =	ssyncadd.s32 $0xFFFFE000  }
0x35: {  	[tilespmem:s20], [sflag:$0x1] =	stream.indirect.gather [spmem:s2], $0x40, s30, s19, $0xb8;
	[tilespmem:$0x1CC00] =	vst v63  }
0x36: {  	_ =	swait.ge [sflag:s25], $0x2000  }
0x37: {  	[sflag:s25] =	ssyncset.done $0x0  }
0x38: {  	s31 =	simm.s32 $0x180;
	s30 =	simm.s32 $0x400;
	[sflag:s25] =	ssyncadd.s32 $0xFFFFE000  }
.LBB2_2:
0x39: {  	[tilespmem:s21], [sflag:$0x2] =	stream.indirect.gather [spmem:s2], $0x40, s31, s19, $0xb8;
	[tilespmem:$0x1CC00] =	vst v63  }
0x3a: {  	s31 =	smov.u32 s30  }
0x3b: {  	p1 =	sne.s32 s30, $0x9800;
	s30 =	sadd.s32 $0x400, s30;
	_ =	swait.ge [sflag:s22], $0x2000  }
0x3c: {  	s31 =	sshra.s32 s31, $0x2;
	[sflag:s22] =	ssyncset.done $0x0  }
0x3d: {  	s0 =	sadd.s32 $0x2800, s31;
	[sflag:s22] =	ssyncadd.s32 $0xFFFFE000  }
0x3e: {  	[spmem:s3] =	stream.indirect.scatter.add.f32 [tilespmem:s20], [sflag:$0x3], $0x40, s0, s19, $0xb8;
	[tilespmem:$0x1CC00] =	vst v63  }
0x3f: {  	_ =	swait.ge [sflag:s23], $0x2000  }
0x40: {  	[sflag:s23] =	ssyncset.done $0x0  }
0x41: {  	s0 =	sadd.s32 $0x2880, s31;
	[sflag:s23] =	ssyncadd.s32 $0xFFFFE000  }
0x42: {  	[spmem:s3] =	stream.indirect.scatter.add.f32 [tilespmem:s21], [sflag:$0x4], $0x40, s0, s19, $0xb8;
	[tilespmem:$0x1CC00] =	vst v63  }
0x43: {  	_ =	swait.ge [sflag:s24], $0x2000  }
0x44: {  	[sflag:s24] =	ssyncset.done $0x0  }
.Ltmp0:
0x45: {  	s0 =	sadd.s32 $0x100, s31;
	[sflag:s24] =	ssyncadd.s32 $0xFFFFE000;
	(pc) =	sbr.rel @p1 .LBB2_2-.Ltmp0, $4  }
0x46: {  	[tilespmem:s20], [sflag:$0x1] =	stream.indirect.gather [spmem:s2], $0x40, s0, s19, $0xb8;
	[tilespmem:$0x1CC00] =	vst v63  }
0x47: {  	_ =	swait.ge [sflag:s25], $0x2000  }
0x48: {  	[sflag:s25] =	ssyncset.done $0x0  }
0x49: {  	s31 =	sadd.s32 $0x180, s31;
	[sflag:s25] =	ssyncadd.s32 $0xFFFFE000  }
0x4a: {  	[tilespmem:s21], [sflag:$0x2] =	stream.indirect.gather [spmem:s2], $0x40, s31, s19, $0xb8;
	[tilespmem:$0x1CC00] =	vst v63  }
0x4b: {  	_ =	swait.ge [sflag:s22], $0x2000  }
0x4c: {  	[sflag:s22] =	ssyncset.done $0x0  }
0x4d: {  	[sflag:s22] =	ssyncadd.s32 $0xFFFFE000  }
0x4e: {  	[spmem:s3] =	stream.indirect.scatter.add.f32 [tilespmem:s20], [sflag:$0x3], $0x40, s26, s19, $0xb8;
	[tilespmem:$0x1CC00] =	vst v63  }
0x4f: {  	_ =	swait.ge [sflag:s23], $0x2000  }
0x50: {  	[sflag:s23] =	ssyncset.done $0x0  }
0x51: {  	[sflag:s23] =	ssyncadd.s32 $0xFFFFE000  }
0x52: {  	[spmem:s3] =	stream.indirect.scatter.add.f32 [tilespmem:s21], [sflag:$0x4], $0x40, s28, s19, $0xb8;
	[tilespmem:$0x1CC00] =	vst v63  }
0x53: {  	_ =	swait.ge [sflag:s24], $0x2000  }
0x54: {  	[sflag:s24] =	ssyncset.done $0x0  }
0x55: {  	[sflag:s24] =	ssyncadd.s32 $0xFFFFE000  }
0x56: {  	_ =	swait.ge [sflag:s25], $0x2000  }
0x57: {  	[sflag:s25] =	ssyncset.done $0x0  }
0x58: {  	[sflag:s25] =	ssyncadd.s32 $0xFFFFE000  }
0x59: {  	[bflag:$0x0] =	sbarrier.arrive $0xFFFF  }
0x5a: {  	[hbm:s9], [sflag:s15] =	dma.local [spmem:s18], $0x13C0  }
0x5b: {  	_ =	swait.ge [sflag:s13], $0x13C0  }
0x5c: {  	[sflag:s13] =	ssyncset.done $0x0  }
0x5d: {  	[sflag:s13] =	ssyncadd.s32 $0xFFFFEC40  }
0x5e: {  	[bflag:$0x0] =	sbarrier.arrive $0xFFFF  }
0x5f: {  	[spmem:s16], [sflag:s15] =	dma.local [hbm:s10], $0x13C0  }
0x60: {  	_ =	swait.ge [sflag:s13], $0x13C0  }
0x61: {  	s0 =	smov.u32 s8;
	[sflag:s13] =	ssyncset.done $0x0  }
0x62: {  	s0 =	smov.u32 @p0 s10;
	[sflag:s13] =	ssyncadd.s32 $0xFFFFEC40  }
0x63: {  	[spmem:s18], [sflag:s15] =	dma.local [hbm:s0], $0x13C0  }
0x64: {  	_ =	swait.ge [sflag:s13], $0x13C0  }
0x65: {  	[sflag:s13] =	ssyncset.done $0x0  }
0x66: {  	[sflag:s13] =	ssyncadd.s32 $0xFFFFEC40  }
0x67: {  	s0 =	simm.s32 $0x0;
	[bflag:$0x0] =	sbarrier.arrive $0xFFFF  }
0x68: {  	[tilespmem:s20], [sflag:$0x1] =	stream.indirect.gather [spmem:s2], $0x40, s0, s19, $0xb8;
	[tilespmem:$0x1CC00] =	vst v63  }
0x69: {  	_ = 	snop  }
0x6a: {  	[tilespmem:s21], [sflag:$0x2] =	stream.indirect.gather [spmem:s2], $0x40, s19, s19, $0xb8;
	[tilespmem:$0x1CC00] =	vst v63  }
0x6b: {  	_ =	swait.ge [sflag:s22], $0x2000  }
0x6c: {  	[sflag:s22] =	ssyncset.done $0x0  }
0x6d: {  	s0 =	simm.s32 $0x2800;
	[sflag:s22] =	ssyncadd.s32 $0xFFFFE000  }
0x6e: {  	[spmem:s3] =	stream.indirect.scatter.add.f32 [tilespmem:s20], [sflag:$0x3], $0x40, s0, s19, $0xb8;
	[tilespmem:$0x1CC00] =	vst v63  }
0x6f: {  	_ =	swait.ge [sflag:s23], $0x2000  }
0x70: {  	[sflag:s23] =	ssyncset.done $0x0  }
0x71: {  	s0 =	simm.s32 $0x2880;
	[sflag:s23] =	ssyncadd.s32 $0xFFFFE000  }
0x72: {  	[spmem:s3] =	stream.indirect.scatter.add.f32 [tilespmem:s21], [sflag:$0x4], $0x40, s0, s19, $0xb8;
	[tilespmem:$0x1CC00] =	vst v63  }
0x73: {  	_ =	swait.ge [sflag:s24], $0x2000  }
0x74: {  	[sflag:s24] =	ssyncset.done $0x0  }
0x75: {  	s0 =	simm.s32 $0x100;
	[sflag:s24] =	ssyncadd.s32 $0xFFFFE000  }
0x76: {  	[tilespmem:s20], [sflag:$0x1] =	stream.indirect.gather [spmem:s2], $0x40, s0, s19, $0xb8;
	[tilespmem:$0x1CC00] =	vst v63  }
0x77: {  	_ =	swait.ge [sflag:s25], $0x2000  }
0x78: {  	[sflag:s25] =	ssyncset.done $0x0  }
0x79: {  	s30 =	simm.s32 $0x400;
	s31 =	simm.s32 $0x180;
	[sflag:s25] =	ssyncadd.s32 $0xFFFFE000  }
.LBB2_4:
0x7a: {  	[tilespmem:s21], [sflag:$0x2] =	stream.indirect.gather [spmem:s2], $0x40, s31, s19, $0xb8;
	[tilespmem:$0x1CC00] =	vst v63  }
0x7b: {  	s0 =	smov.u32 s30  }
0x7c: {  	p1 =	sne.s32 s30, $0x9800;
	s30 =	sadd.s32 $0x400, s30;
	_ =	swait.ge [sflag:s22], $0x2000  }
0x7d: {  	s0 =	sshra.s32 s0, $0x2;
	[sflag:s22] =	ssyncset.done $0x0  }
0x7e: {  	s31 =	sadd.s32 $0x2800, s0;
	[sflag:s22] =	ssyncadd.s32 $0xFFFFE000  }
0x7f: {  	[spmem:s3] =	stream.indirect.scatter.add.f32 [tilespmem:s20], [sflag:$0x3], $0x40, s31, s19, $0xb8;
	[tilespmem:$0x1CC00] =	vst v63  }
0x80: {  	_ =	swait.ge [sflag:s23], $0x2000  }
0x81: {  	[sflag:s23] =	ssyncset.done $0x0  }
0x82: {  	s31 =	sadd.s32 $0x2880, s0;
	[sflag:s23] =	ssyncadd.s32 $0xFFFFE000  }
0x83: {  	[spmem:s3] =	stream.indirect.scatter.add.f32 [tilespmem:s21], [sflag:$0x4], $0x40, s31, s19, $0xb8;
	[tilespmem:$0x1CC00] =	vst v63  }
0x84: {  	_ =	swait.ge [sflag:s24], $0x2000  }
0x85: {  	[sflag:s24] =	ssyncset.done $0x0  }
.Ltmp1:
0x86: {  	s31 =	sadd.s32 $0x100, s0;
	[sflag:s24] =	ssyncadd.s32 $0xFFFFE000;
	(pc) =	sbr.rel @p1 .LBB2_4-.Ltmp1, $4  }
0x87: {  	[tilespmem:s20], [sflag:$0x1] =	stream.indirect.gather [spmem:s2], $0x40, s31, s19, $0xb8;
	[tilespmem:$0x1CC00] =	vst v63  }
0x88: {  	_ =	swait.ge [sflag:s25], $0x2000  }
0x89: {  	[sflag:s25] =	ssyncset.done $0x0  }
0x8a: {  	s31 =	sadd.s32 $0x180, s0;
	[sflag:s25] =	ssyncadd.s32 $0xFFFFE000  }
0x8b: {  	[tilespmem:s21], [sflag:$0x2] =	stream.indirect.gather [spmem:s2], $0x40, s31, s19, $0xb8;
	[tilespmem:$0x1CC00] =	vst v63  }
0x8c: {  	_ =	swait.ge [sflag:s22], $0x2000  }
0x8d: {  	[sflag:s22] =	ssyncset.done $0x0  }
0x8e: {  	[sflag:s22] =	ssyncadd.s32 $0xFFFFE000  }
0x8f: {  	[spmem:s3] =	stream.indirect.scatter.add.f32 [tilespmem:s20], [sflag:$0x3], $0x40, s26, s19, $0xb8;
	[tilespmem:$0x1CC00] =	vst v63  }
0x90: {  	_ =	swait.ge [sflag:s23], $0x2000  }
0x91: {  	[sflag:s23] =	ssyncset.done $0x0  }
0x92: {  	[sflag:s23] =	ssyncadd.s32 $0xFFFFE000  }
0x93: {  	[spmem:s3] =	stream.indirect.scatter.add.f32 [tilespmem:s21], [sflag:$0x4], $0x40, s28, s19, $0xb8;
	[tilespmem:$0x1CC00] =	vst v63  }
0x94: {  	_ =	swait.ge [sflag:s24], $0x2000  }
0x95: {  	[sflag:s24] =	ssyncset.done $0x0  }
0x96: {  	[sflag:s24] =	ssyncadd.s32 $0xFFFFE000  }
0x97: {  	_ =	swait.ge [sflag:s25], $0x2000  }
0x98: {  	s29 =	sadd.s32 $0x1, s29;
	[sflag:s25] =	ssyncset.done $0x0  }
0x99: {  	p1 =	sne.s32 s29, s12;
	[sflag:s25] =	ssyncadd.s32 $0xFFFFE000  }
.Ltmp2:
0x9a: {  	[bflag:$0x0] =	sbarrier.arrive $0xFFFF;
	(pc) =	sbr.rel @p1 .LBB2_1-.Ltmp2, $4  }
0x9b: {  	[hbm:s11], [sflag:s15] =	dma.local [spmem:s18], $0x13C0  }
0x9c: {  	_ =	swait.ge [sflag:s13], $0x13C0  }
0x9d: {  	[sflag:s13] =	ssyncset.done $0x0  }
0x9e: {  	[sflag:s13] =	ssyncadd.s32 $0xFFFFEC40  }
0x9f: {  	_ =	sfence.sel $0x180000  }
0xa0: {  	[bflag:$0x0] =	sbarrier.arrive $0xFFFF  }
0xa1: {  	_ =	strace $0x9000004A  }
0xa2: {  	[bflag:$0x2] =	sbarrier.arrive $0xFFFF  }
0xa3: {  	p0 =	sne.s32 s1, $0x0;
	s0 =	rddreg [dreg:$0x5]  }
0xa4: {  	s0 =	sadd.s32 @!p0 $0x100000, s0  }
0xa5: {  	[sflag:s0] =	ssyncadd.tile.s32 @!p0 $0x1;
	_ =	shalt  }
.Lfunc_end2:
_tile_overlayer_lowered:
.L_overlay_start_2:
0xa6: {  	(tag) =	ssettag $0x2  }
0xa7: {  	s0 =	rddreg [dreg:$0x0];
	s2 =	stileid.u32  }
0xa8: {  	s1 =	rddreg [dreg:$0x1];
	p0 =	sne.s32 s2, $0x0  }
0xa9: {  	s3 =	rddreg [dreg:$0x2];
	[bflag:$0x3] =	sbarrier.arrive $0xFFFF;
	s2 =	simm.s32 @!p0 $0x1C05  }
0xaa: {  	[timem:s3], [sflag:s2] =	dma.local @!p0 [hbm:s0], s1  }
0xab: {  	s0 =	simm.s32 @!p0 $0x5  }
0xac: {  	_ =	swait.ge @!p0 [sflag:s0], s1  }
0xad: {  	s1 =	ssub.s32 @!p0 $0x0, s1;
	[sflag:s0] =	ssyncset.done @!p0 $0x0  }
0xae: {  	[sflag:s0] =	ssyncadd.s32 @!p0 s1  }
0xaf: {  	[bflag:$0x3] =	sbarrier.arrive $0xFFFF  }
0xb0: {  	_ =	shalt  }

// kernel: kernel.7.cloned.1.call-start
scs
__scs_entry_jumppad:
0x0: {  	(pc) =	sbr.rel $0x88, $3  }
0x1: {  	(tag) =	ssettag $0x0;
	lr =	simm.s32 $0x1  }
0x2: {  	[smem:$0x3F9D] =	sst lr;
	_ =	strace $0xD0000000  }
0x3: {  	_ = 	snop  }
0x4: {  	_ = 	snop  }
0x5: {  	_ = 	snop  }
0x6: {  	_ = 	snop  }
0x7: {  	_ = 	snop  }
__scs_overlays_trampoline_lowered:
0x8: {  	[smem:$0x3FAC] =	sst s0  }
0x9: {  	[smem:$0x3FAD] =	sst s1  }
0xa: {  	[smem:$0x3FAE] =	sst s2  }
0xb: {  	[smem:$0x3FAF] =	sst s3  }
0xc: {  	[smem:$0x3FB0] =	sst s4  }
0xd: {  	[smem:$0x3FB1] =	sst s5  }
0xe: {  	[smem:$0x3FB2] =	sst s6  }
0xf: {  	[smem:$0x3FB3] =	sst s7  }
0x10: {  	[smem:$0x3FB4] =	sst s8  }
0x11: {  	[smem:$0x3FB5] =	sst s9;
	s0 =	simm.s32 @!p0 $0x0  }
0x12: {  	s1 =	sld [smem:$0x3F9B];
	s0 =	simm.s32 @p0 $0x1  }
0x13: {  	[smem:$0x3FB6] =	sst s0;
	s0 =	simm.s32 @!p1 $0x0  }
0x14: {  	s2 =	sld [smem:$0x3F9A];
	s0 =	simm.s32 @p1 $0x1  }
0x15: {  	[smem:$0x3FB7] =	sst s0;
	s0 =	simm.s32 @!p2 $0x0  }
0x16: {  	s3 =	sld [smem:$0x3FDB];
	s0 =	simm.s32 @p2 $0x1  }
0x17: {  	s4 =	simm.s32 $0x1BF5;
	[smem:$0x3FB9] =	sst s0  }
0x18: {  	s0 =	sld [smem:$0x3F9C];
	_ =	swait.ge [sflag:s4], $0x0  }
0x19: {  	s7 =	sld [smem:$0x3F9D]  }
0x1a: {  	s8 =	sadd.s32 $0xFFFFE003, lr  }
0x1b: {  	s9 =	sadd.s32 $0xFFFFFEF7, lr;
	s5 =	simm.s32 $0xFFFFFFFF;
	p2 =	slt.u32 s8, $0xFFFFF086  }
0x1c: {  	p1 =	slt.u32 s9, $0xF7A;
	s5 =	simm.s32 @!p2 $0x0  }
0x1d: {  	s5 =	simm.s32 @p1 $0x1;
	p0 =	seq.s32 s7, s2  }
0x1e: {  	s7 =	smul.u32 @!p0 $0xF7A, s2;
	p2 =	seq.s32 @!p0 s5, $0x0  }
0x1f: {  	s9 =	smul.u32 $0xF7A, s1;
	s8 =	simm.s32 @!p0 $0x1BF5;
	p2 =	por !p2, p0  }
0x20: {  	[sflag:s8] =	ssyncset.s32 @!p0 $0xFFFFF086;
	s6 =	sadd.s32 @!p0 s3, s7;
	s7 =	simm.s32 @!p0 $0x108  }
0x21: {  	s3 =	sadd.s32 s3, s9;
	s6 =	sadd.s32 @!p0 $0x88, s6;
	s7 =	simm.s32 @p2 $0x1082  }
0x22: {  	[simem:s7], [sflag:s8] =	dma.local @!p0 [hbm:s6], $0xF7A  }
0x23: {  	s9 =	sor.u32 $0xD0000000, s2;
	s6 =	simm.s32 $0x108;
	_ =	swait.ge @!p0 [sflag:s8], $0x0  }
0x24: {  	s3 =	sadd.s32 $0x88, s3;
	s6 =	simm.s32 @!p1 $0x1082;
	[sflag:s4] =	ssyncset.s32 $0xFFFFF086  }
0x25: {  	[simem:s6], [sflag:s4] =	dma.local [hbm:s3], $0xF7A  }
0x26: {  	[smem:$0x3F9D] =	sst s1;
	(tag) =	ssettag s2;
	_ =	strace s9  }
0x27: {  	s1 =	sld [smem:$0x3FAD]  }
0x28: {  	s2 =	sld [smem:$0x3FAE]  }
0x29: {  	s4 =	sld [smem:$0x3FB0]  }
0x2a: {  	p0 =	seq.s32 s5, $0x0;
	s5 =	sld [smem:$0x3FB1]  }
0x2b: {  	s6 =	sld [smem:$0x3FB2]  }
0x2c: {  	s7 =	sld [smem:$0x3FB3]  }
0x2d: {  	s3 =	simm.s32 $0x108;
	s8 =	sld [smem:$0x3FB4]  }
0x2e: {  	s3 =	simm.s32 @!p0 $0x1082;
	s9 =	sld [smem:$0x3FB5]  }
0x2f: {  	lr =	sadd.s32 s0, s3;
	s0 =	sld [smem:$0x3FAC]  }
0x30: {  	s3 =	sld [smem:$0x3FAF]  }
0x31: {  	[smem:$0x3FB8] =	sst s10  }
0x32: {  	s10 =	sld [smem:$0x3FB6];
	_ =	sdelay $0x3  }
0x33: {  	p0 =	seq.s32 s10, $0x1;
	s10 =	sld [smem:$0x3FB8];
	_ =	sdelay $0x3  }
0x34: {  	[smem:$0x3FB8] =	sst s10  }
0x35: {  	s10 =	sld [smem:$0x3FB7];
	_ =	sdelay $0x3  }
0x36: {  	p1 =	seq.s32 s10, $0x1;
	s10 =	sld [smem:$0x3FB8];
	_ =	sdelay $0x3  }
0x37: {  	[smem:$0x3FB8] =	sst s10  }
0x38: {  	s10 =	sld [smem:$0x3FB9]  }
0x39: {  	_ = 	snop;
	(pc) =	sbr.ind lr, $3  }
0x3a: {  	_ = 	snop  }
0x3b: {  	_ = 	snop  }
0x3c: {  	p2 =	seq.s32 s10, $0x1;
	s10 =	sld [smem:$0x3FB8]  }
0x3d: {  	_ =	shalt  }
0x3e: {  	_ =	shalt  }
0x3f: {  	_ =	shalt  }
0x40: {  	_ =	shalt  }
0x41: {  	_ =	shalt  }
0x42: {  	_ =	shalt  }
0x43: {  	_ =	shalt  }
0x44: {  	_ =	shalt  }
0x45: {  	_ =	shalt  }
0x46: {  	_ =	shalt  }
0x47: {  	_ =	shalt  }
0x48: {  	_ =	shalt  }
0x49: {  	_ =	shalt  }
0x4a: {  	_ =	shalt  }
0x4b: {  	_ =	shalt  }
0x4c: {  	_ =	shalt  }
0x4d: {  	_ =	shalt  }
0x4e: {  	_ =	shalt  }
0x4f: {  	_ =	shalt  }
0x50: {  	_ =	shalt  }
0x51: {  	_ =	shalt  }
0x52: {  	_ =	shalt  }
0x53: {  	_ =	shalt  }
0x54: {  	_ =	shalt  }
0x55: {  	_ =	shalt  }
0x56: {  	_ =	shalt  }
0x57: {  	_ =	shalt  }
0x58: {  	_ =	shalt  }
0x59: {  	_ =	shalt  }
0x5a: {  	_ =	shalt  }
0x5b: {  	_ =	shalt  }
0x5c: {  	_ =	shalt  }
0x5d: {  	_ =	shalt  }
0x5e: {  	_ =	shalt  }
0x5f: {  	_ =	shalt  }
0x60: {  	_ =	shalt  }
0x61: {  	_ =	shalt  }
0x62: {  	_ =	shalt  }
0x63: {  	_ =	shalt  }
0x64: {  	_ =	shalt  }
0x65: {  	_ =	shalt  }
0x66: {  	_ =	shalt  }
0x67: {  	_ =	shalt  }
0x68: {  	_ =	shalt  }
0x69: {  	_ =	shalt  }
0x6a: {  	_ =	shalt  }
0x6b: {  	_ =	shalt  }
0x6c: {  	_ =	shalt  }
0x6d: {  	_ =	shalt  }
0x6e: {  	_ =	shalt  }
0x6f: {  	_ =	shalt  }
0x70: {  	_ =	shalt  }
0x71: {  	_ =	shalt  }
0x72: {  	_ =	shalt  }
0x73: {  	_ =	shalt  }
0x74: {  	_ =	shalt  }
0x75: {  	_ =	shalt  }
0x76: {  	_ =	shalt  }
0x77: {  	_ =	shalt  }
0x78: {  	_ =	shalt  }
0x79: {  	_ =	shalt  }
0x7a: {  	_ =	shalt  }
0x7b: {  	_ =	shalt  }
0x7c: {  	_ =	shalt  }
0x7d: {  	_ =	shalt  }
0x7e: {  	_ =	shalt  }
0x7f: {  	_ =	shalt  }
0x80: {  	_ =	shalt  }
0x81: {  	_ =	shalt  }
0x82: {  	_ =	shalt  }
0x83: {  	_ =	shalt  }
0x84: {  	_ =	shalt  }
0x85: {  	_ =	shalt  }
0x86: {  	_ =	shalt  }
0x87: {  	_ =	shalt  }
.Lfunc_end0:
.L_simem_size_0:
called_computation_lowered:
.L_overlay_start_0:
0x88: {  	s2 =	sld [smem:$0x3FD9]  }
0x89: {  	s3 =	sld [smem:$0x3FFE];
	_ =	sdelay $0x1  }
0x8a: {  	s1 =	srdreg.scid  }
0x8b: {  	s0 =	sand.u32 $0x1, s1  }
0x8c: {  	s14 =	sshll.u32 s0, $0xA;
	s2 =	sadd.s32 s3, s2  }
0x8d: {  	s2 =	sadd.s32 s2, s14  }
0x8e: {  	[smem:$0x3FC4] =	sst s2  }
0x8f: {  	_ = 	snop  }
0x90: {  	s2 =	sld [smem:$0x3FD0];
	_ =	sdelay $0x2  }
0x91: {  	s15 =	simm.s32 $0xA;
	s4 =	simm.s32 $0x10  }
0x92: {  	[smem:s4], [sflag:s15] =	dma.local [hbm:s2], $0x1  }
0x93: {  	_ =	swait.eq [sflag:s15], $0x1  }
0x94: {  	[sflag:s15] =	ssyncset.done $0x0  }
0x95: {  	s16 =	sld [smem:$0x10];
	[sflag:s15] =	ssyncadd.s32 $0xFFFFFFFF  }
0x96: {  	s17 =	sld [smem:$0x11];
	(tm) =	ssettm $0x1  }
0x97: {  	s18 =	sld [smem:$0x3FFB];
	_ =	sdelay $0x3  }
0x98: {  	_ =	strace s18  }
0x99: {  	s4 =	sld [smem:$0x3FFC];
	_ =	sdelay $0x3  }
0x9a: {  	_ =	strace s4  }
0x9b: {  	s4 =	sld [smem:$0x3FFD];
	_ =	sdelay $0x3  }
0x9c: {  	_ =	strace s4  }
0x9d: {  	_ =	strace $0x8FFFFFFF  }
0x9e: {  	s19 =	sld [smem:$0x3FDB];
	_ =	sdelay $0x1  }
0x9f: {  	s5 =	simm.s32 $_scs_section_size  }
0xa0: {  	s6 =	simm.s32 $_size__tile_overlayer_lowered;
	s7 =	simm.s32 $_tile_overlayer_lowered  }
0xa1: {  	s22 =	simm.s32 $0x1BFF;
	s21 =	sshll.u32 s7, $0x1;
	s4 =	sadd.s32 s5, s19  }
0xa2: {  	s8 =	simm.s32 $0x0;
	s20 =	sshll.u32 s6, $0x1;
	s6 =	sadd.s32 s21, s4  }
0xa3: {  	[timem:s8], [sflag:s22] =	dma.local [hbm:s6], s20  }
0xa4: {  	_ =	swait.ge [sflag:s22], s20  }
0xa5: {  	s5 =	ssub.s32 $0x0, s20;
	[sflag:s22] =	ssyncset.done $0x0  }
0xa6: {  	[sflag:s22] =	ssyncadd.s32 s5;
	_ =	sdelay $0x1  }
0xa7: {  	s23 =	simm.s32 $0x1B8B  }
0xa8: {  	_ =	swait.ge [sflag:s23], $0x1  }
0xa9: {  	[sflag:s23] =	ssyncset.done $0x0  }
0xaa: {  	s25 =	simm.s32 $0x1B8E;
	s24 =	sld [smem:$0x3FFE];
	[sflag:s23] =	ssyncadd.s32 $0xFFFFFFFF  }
0xab: {  	s26 =	simm.s32 $execute0_lowered;
	[smem:$0x3FD2] =	sst s25  }
0xac: {  	s6 =	sshll.u32 s26, $0x1;
	_ =	strace $0x80000046;
	[dreg:$0x1] =	wrdreg $0xFFFFFFFF  }
0xad: {  	s28 =	simm.s32 $_size_execute0_lowered;
	s4 =	sadd.s32 s4, s6;
	[dreg:$0x0] =	wrdreg $0x0  }
0xae: {  	s6 =	sshll.u32 s28, $0x1;
	[dreg:$0x2] =	wrdreg s4  }
0xaf: {  	[dreg:$0x3] =	wrdreg s6  }
0xb0: {  	[dreg:$0x4] =	wrdreg $0xC0  }
0xb1: {  	_ =	task [dreg:s8], $0x5FFFF  }
0xb2: {  	[dreg:$0x1] =	wrdreg $0xFFFFFFFF  }
0xb3: {  	[dreg:$0x0] =	wrdreg $0x60  }
0xb4: {  	[dreg:$0x2] =	wrdreg s17  }
0xb5: {  	[dreg:$0x3] =	wrdreg s24  }
0xb6: {  	[dreg:$0x4] =	wrdreg s16  }
0xb7: {  	[dreg:$0x5] =	wrdreg $0x28800  }
0xb8: {  	[dreg:$0x6] =	wrdreg $0x9  }
0xb9: {  	_ =	task.clear_ibuf [dreg:s8], $0x7FFFF;
	_ =	strace $0x90000046  }
0xba: {  	s29 =	simm.s32 $0x9;
	_ =	strace $0x80000048  }
0xbb: {  	_ =	swait.ge [sflag:s29], $0x1  }
0xbc: {  	[sflag:s29] =	ssyncadd.s32 $0xFFFFFFFF  }
0xbd: {  	_ =	strace $0x90000048  }
0xbe: {  	_ =	sfence  }
0xbf: {  	s30 =	sld [smem:$0x0];
	_ =	sdelay $0x2  }
0xc0: {  	s31 =	sshll.u32 s1, $0xD;
	s1 =	sshrl.u32 s1, $0x2  }
0xc1: {  	s3 =	sand.u32 $0x4000, s31;
	s1 =	sadd.s32 s1, s30  }
0xc2: {  	s0 =	sor.u32 s3, s0;
	s1 =	sshll.u32 s1, $0x11  }
0xc3: {  	s0 =	sor.u32 s1, s0  }
0xc4: {  	s0 =	sadd.s32 $0x8F2B, s0  }
0xc5: {  	[sflag:s0] =	ssyncadd.remote.s32 $0x1  }
0xc6: {  	_ =	sfence.sel $0xFFFF  }
0xc7: {  	[dreg:$0x0] =	wrdreg $0xFFFFFFFF;
	(pc) =	sbr.abs _section_cstart, $3  }
0xc8: {  	[dreg:$0x1] =	wrdreg $0xFFFFFFFF  }
0xc9: {  	_ =	task.clear_ibuf [dreg:s8], $0x2FFFF;
	_ =	strace $0x9FFFFFFF  }
0xca: {  	(tm) =	ssettm $0x7FFFFFFF  }
0xcb: {  	_ =	shalt  }
tec
execute0_lowered:
.L_overlay_start_1:
0x0: {  	(tag) =	ssettag $0x1  }
0x1: {  	s3 =	rddreg [dreg:$0x0]  }
0x2: {  	s4 =	rddreg [dreg:$0x1]  }
0x3: {  	s0 =	srdreg.scid;
	s5 =	rddreg [dreg:$0x2]  }
0x4: {  	s1 =	rddreg [dreg:$0x3];
	s17 =	stileid.u32;
	s2 =	simm.s32 $0x0  }
0x5: {  	s11 =	simm.s32 $0x2800;
	s12 =	simm.s32 $0x100;
	s13 =	simm.s32 $0x180  }
0x6: {  	s14 =	simm.s32 $0x1;
	s15 =	simm.s32 $0x2;
	s16 =	simm.s32 $0x3  }
0x7: {  	s19 =	simm.s32 $0x0;
	s6 =	sand.u32 $0x1, s0;
	s0 =	rddreg [dreg:$0x4]  }
0x8: {  	[smem:$0x7FF] =	sst s2;
	s8 =	sshll.u32 s17, $0x7;
	s30 =	sshll.u32 s17, $0xA  }
0x9: {  	s10 =	sshll.u32 s17, $0x6;
	p0 =	sne.s32 s17, $0x0;
	s7 =	sshll.u32 s6, $0x4  }
0xa: {  	_ =	strace $0x80000047;
	s9 =	ssub.s32 $0x2, s6;
	s4 =	sadd.s32 s8, s4  }
0xb: {  	s31 =	sadd.s32 s30, s1;
	s6 =	sshll.u32 s6, $0xB;
	s7 =	sor.u32 s17, s7  }
0xc: {  	s18 =	sshrl.u32 @!p0 s1, $0x3;
	s29 =	sshrl.u32 s9, $0x1;
	s7 =	smul.u32 $0x2800, s7  }
0xd: {  	s4 =	sadd.s32 $0x1800, s4;
	s5 =	sadd.s32 s5, s6;
	s17 =	simm.s32 $0x4  }
0xe: {  	s8 =	ssub.s32 s9, s29;
	s9 =	sshrl.u32 s31, $0x3;
	s7 =	sshrl.u32 s7, $0x3  }
0xf: {  	s6 =	smax.u32 s8, $0x1;
	s8 =	sor.u32 $0x1C05, s10;
	s3 =	sadd.s32 s3, s7  }
0x10: {  	v0 =	vimm.f32 $1.000000000e+00;
	s10 =	simm.s32 $0x80;
	s7 =	simm.s32 $0x5;
	s3 =	sadd.s32 $0xA000, s3  }
.LBB2_1:
0x11: {  	[tilespmem:s2], [sflag:$0x5] =	stream.linear.gather [hbm4b:s3+s2], $0x2800, $0x38;
	[tilespmem:$0x2C80] =	vst v63  }
0x12: {  	_ =	swait.ge [sflag:s7], $0x2800  }
0x13: {  	[sflag:s7] =	ssyncset.done $0x0  }
0x14: {  	[sflag:s7] =	ssyncadd.s32 $0xFFFFD800  }
0x15: {  	[tilespmem:$0x2800] =	vst v0  }
0x16: {  	[tilespmem:$0x2810] =	vst v0  }
0x17: {  	[tilespmem:$0x2820] =	vst v0  }
0x18: {  	[tilespmem:$0x2830] =	vst v0  }
0x19: {  	[tilespmem:$0x2840] =	vst v0  }
0x1a: {  	[tilespmem:$0x2850] =	vst v0  }
0x1b: {  	[tilespmem:$0x2860] =	vst v0  }
0x1c: {  	[tilespmem:$0x2870] =	vst v0  }
0x1d: {  	[spmem:s9], [sflag:s8] =	dma.local [hbm:s4], $0x80  }
0x1e: {  	_ =	swait.ge [sflag:s7], $0x80  }
0x1f: {  	[sflag:s7] =	ssyncset.done $0x0  }
0x20: {  	[sflag:s7] =	ssyncadd.s32 $0xFFFFFF80  }
0x21: {  	[bflag:$0x0] =	sbarrier.arrive $0xFFFF  }
0x22: {  	[spmem:s1] =	stream.indirect.scatter.add.f32 [tilespmem:s11], [sflag:$0x1], $0x1, s2, s10, $0xb8;
	[tilespmem:$0x2C80] =	vst v63  }
0x23: {  	_ = 	snop  }
0x24: {  	[spmem:s1] =	stream.indirect.scatter.add.f32 [tilespmem:s11], [sflag:$0x2], $0x1, s10, s10, $0xb8;
	[tilespmem:$0x2C80] =	vst v63  }
0x25: {  	_ = 	snop  }
0x26: {  	[spmem:s1] =	stream.indirect.scatter.add.f32 [tilespmem:s11], [sflag:$0x3], $0x1, s12, s10, $0xb8;
	[tilespmem:$0x2C80] =	vst v63  }
0x27: {  	_ = 	snop  }
0x28: {  	[spmem:s1] =	stream.indirect.scatter.add.f32 [tilespmem:s11], [sflag:$0x4], $0x1, s13, s10, $0xb8;
	[tilespmem:$0x2C80] =	vst v63  }
0x29: {  	_ =	swait.ge [sflag:s14], $0x80  }
0x2a: {  	[sflag:s14] =	ssyncset.done $0x0  }
0x2b: {  	s20 =	simm.s32 $0x200;
	[sflag:s14] =	ssyncadd.s32 $0xFFFFFF80  }
0x2c: {  	[spmem:s1] =	stream.indirect.scatter.add.f32 [tilespmem:s11], [sflag:$0x1], $0x1, s20, s10, $0xb8;
	[tilespmem:$0x2C80] =	vst v63  }
0x2d: {  	_ =	swait.ge [sflag:s15], $0x80  }
0x2e: {  	[sflag:s15] =	ssyncset.done $0x0  }
0x2f: {  	s30 =	simm.s32 $0x280;
	[sflag:s15] =	ssyncadd.s32 $0xFFFFFF80  }
0x30: {  	[spmem:s1] =	stream.indirect.scatter.add.f32 [tilespmem:s11], [sflag:$0x2], $0x1, s30, s10, $0xb8;
	[tilespmem:$0x2C80] =	vst v63  }
0x31: {  	_ =	swait.ge [sflag:s16], $0x80  }
0x32: {  	[sflag:s16] =	ssyncset.done $0x0  }
0x33: {  	s31 =	simm.s32 $0x300;
	[sflag:s16] =	ssyncadd.s32 $0xFFFFFF80  }
0x34: {  	[spmem:s1] =	stream.indirect.scatter.add.f32 [tilespmem:s11], [sflag:$0x3], $0x1, s31, s10, $0xb8;
	[tilespmem:$0x2C80] =	vst v63  }
0x35: {  	_ =	swait.ge [sflag:s17], $0x80  }
0x36: {  	[sflag:s17] =	ssyncset.done $0x0  }
0x37: {  	s21 =	simm.s32 $0x380;
	s20 =	simm.s32 $0xFFFF7000;
	[sflag:s17] =	ssyncadd.s32 $0xFFFFFF80  }
.LBB2_2:
0x38: {  	[spmem:s1] =	stream.indirect.scatter.add.f32 [tilespmem:s11], [sflag:$0x4], $0x1, s21, s10, $0xb8;
	[tilespmem:$0x2C80] =	vst v63  }
0x39: {  	s21 =	smov.u32 s20  }
0x3a: {  	p1 =	sne.s32 s20, $0xFFFFF800;
	s20 =	sadd.s32 $0x800, s20;
	_ =	swait.ge [sflag:s14], $0x80  }
0x3b: {  	s21 =	sshra.s32 s21, $0x2;
	[sflag:s14] =	ssyncset.done $0x0  }
0x3c: {  	s22 =	sadd.s32 $0x2800, s21;
	[sflag:s14] =	ssyncadd.s32 $0xFFFFFF80  }
0x3d: {  	[spmem:s1] =	stream.indirect.scatter.add.f32 [tilespmem:s11], [sflag:$0x1], $0x1, s22, s10, $0xb8;
	[tilespmem:$0x2C80] =	vst v63  }
0x3e: {  	_ =	swait.ge [sflag:s15], $0x80  }
0x3f: {  	[sflag:s15] =	ssyncset.done $0x0  }
0x40: {  	s22 =	sadd.s32 $0x2880, s21;
	[sflag:s15] =	ssyncadd.s32 $0xFFFFFF80  }
0x41: {  	[spmem:s1] =	stream.indirect.scatter.add.f32 [tilespmem:s11], [sflag:$0x2], $0x1, s22, s10, $0xb8;
	[tilespmem:$0x2C80] =	vst v63  }
0x42: {  	_ =	swait.ge [sflag:s16], $0x80  }
0x43: {  	[sflag:s16] =	ssyncset.done $0x0  }
.Ltmp0:
0x44: {  	s22 =	sadd.s32 $0x2900, s21;
	[sflag:s16] =	ssyncadd.s32 $0xFFFFFF80;
	(pc) =	sbr.rel @p1 .LBB2_2-.Ltmp0, $4  }
0x45: {  	[spmem:s1] =	stream.indirect.scatter.add.f32 [tilespmem:s11], [sflag:$0x3], $0x1, s22, s10, $0xb8;
	[tilespmem:$0x2C80] =	vst v63  }
0x46: {  	_ =	swait.ge [sflag:s17], $0x80  }
0x47: {  	[sflag:s17] =	ssyncset.done $0x0  }
0x48: {  	s21 =	sadd.s32 $0x2980, s21;
	[sflag:s17] =	ssyncadd.s32 $0xFFFFFF80  }
0x49: {  	[spmem:s1] =	stream.indirect.scatter.add.f32 [tilespmem:s11], [sflag:$0x4], $0x1, s21, s10, $0xb8;
	[tilespmem:$0x2C80] =	vst v63  }
0x4a: {  	_ =	swait.ge [sflag:s14], $0x80  }
0x4b: {  	[sflag:s14] =	ssyncset.done $0x0  }
0x4c: {  	[sflag:s14] =	ssyncadd.s32 $0xFFFFFF80  }
0x4d: {  	_ =	swait.ge [sflag:s15], $0x80  }
0x4e: {  	[sflag:s15] =	ssyncset.done $0x0  }
0x4f: {  	[sflag:s15] =	ssyncadd.s32 $0xFFFFFF80  }
0x50: {  	_ =	swait.ge [sflag:s16], $0x80  }
0x51: {  	[sflag:s16] =	ssyncset.done $0x0  }
0x52: {  	[sflag:s16] =	ssyncadd.s32 $0xFFFFFF80  }
0x53: {  	_ =	swait.ge [sflag:s17], $0x80  }
0x54: {  	s19 =	sadd.s32 $0x1, s19;
	[sflag:s17] =	ssyncset.done $0x0  }
0x55: {  	p1 =	sne.s32 s19, s6;
	[sflag:s17] =	ssyncadd.s32 $0xFFFFFF80  }
.Ltmp1:
0x56: {  	s20 =	simm.s32 @!p0 $0x5;
	[bflag:$0x0] =	sbarrier.arrive $0xFFFF;
	(pc) =	sbr.rel @p1 .LBB2_1-.Ltmp1, $4  }
0x57: {  	[hbm:s5], [sflag:s8] =	dma.local @!p0 [spmem:s18], $0x800  }
0x58: {  	_ =	swait.ge @!p0 [sflag:s20], $0x800  }
0x59: {  	[sflag:s20] =	ssyncset.done @!p0 $0x0  }
0x5a: {  	[sflag:s20] =	ssyncadd.s32 @!p0 $0xFFFFF800  }
0x5b: {  	_ =	sfence.sel $0x180000  }
0x5c: {  	[bflag:$0x0] =	sbarrier.arrive $0xFFFF  }
0x5d: {  	_ =	strace $0x90000047  }
0x5e: {  	s0 =	sadd.s32 @!p0 $0x100000, s0;
	[bflag:$0x2] =	sbarrier.arrive $0xFFFF  }
0x5f: {  	[sflag:s0] =	ssyncadd.tile.s32 @!p0 $0x1;
	_ =	shalt  }
.Lfunc_end2:
_tile_overlayer_lowered:
.L_overlay_start_2:
0x60: {  	(tag) =	ssettag $0x2  }
0x61: {  	s0 =	rddreg [dreg:$0x0];
	s2 =	stileid.u32  }
0x62: {  	s1 =	rddreg [dreg:$0x1];
	p0 =	sne.s32 s2, $0x0  }
0x63: {  	s3 =	rddreg [dreg:$0x2];
	[bflag:$0x3] =	sbarrier.arrive $0xFFFF;
	s2 =	simm.s32 @!p0 $0x1C05  }
0x64: {  	[timem:s3], [sflag:s2] =	dma.local @!p0 [hbm:s0], s1  }
0x65: {  	s0 =	simm.s32 @!p0 $0x5  }
0x66: {  	_ =	swait.ge @!p0 [sflag:s0], s1  }
0x67: {  	s1 =	ssub.s32 @!p0 $0x0, s1;
	[sflag:s0] =	ssyncset.done @!p0 $0x0  }
0x68: {  	[sflag:s0] =	ssyncadd.s32 @!p0 s1  }
0x69: {  	[bflag:$0x3] =	sbarrier.arrive $0xFFFF  }
0x6a: {  	_ =	shalt  }

</sc_bundles>
